<compile_context>
chip_gen: v7x
topology: tpu7x:2x2x1
jax: 0.10.2.dev20260603
libtpu: 0.0.44.dev20260713+nightly
codegen_flags: <defaults>
</compile_context>

<pallas_src>
import functools

import jax
import jax.numpy as jnp
from jax import lax
from jax.experimental import pallas as pl
from jax.experimental.pallas import tpu as pltpu
from jax.experimental.pallas import tpu_sc as plsc

EMBED = 128
N_DOCS = 100000
K = 32
BLK = 4096
N_PAD = 102400
GRID = N_PAD // BLK
N_TILES = 16
PER_TILE = N_PAD // N_TILES
N_GROUPS = 16
GROUP = PER_TILE // N_GROUPS
G_CHUNKS = GROUP // 16
BIG_I = 2**31 - 1


def _dist_body(q_ref, x_ref, o_ref):
    i = pl.program_id(0)
    x = x_ref[...]
    q = q_ref[...]
    qsq = jnp.sum(q * q)
    rows = lax.broadcasted_iota(jnp.int32, (8, EMBED), 0)
    ones_row = jnp.where(rows == 0, 1.0, 0.0).astype(jnp.float32)
    qrow = ones_row * q
    ones_bf = ones_row.astype(jnp.bfloat16)
    y = x * x
    yh = y.astype(jnp.bfloat16)
    y1 = y - yh.astype(jnp.float32)
    ym = y1.astype(jnp.bfloat16)
    yl = (y1 - ym.astype(jnp.float32)).astype(jnp.bfloat16)

    def dsum(r):
        return lax.dot_general(ones_bf, r, (((1,), (1,)), ((), ())),
                               preferred_element_type=jnp.float32)[0:1]
    d2 = (dsum(yh) + dsum(ym)) + dsum(yl)
    qd = lax.dot_general(qrow, x, (((1,), (1,)), ((), ())),
                         precision=lax.Precision.DEFAULT,
                         preferred_element_type=jnp.float32)[0:1]
    dist = (qsq + d2) - 2.0 * qd
    gidx = i * BLK + lax.broadcasted_iota(jnp.int32, (1, BLK), 1)
    dist = jnp.where(gidx < N_DOCS, dist, jnp.inf)
    o_ref[...] = dist.reshape(BLK)


_dist_call = pl.pallas_call(
    _dist_body,
    grid=(GRID,),
    in_specs=[
        pl.BlockSpec((1, EMBED), lambda i: (0, 0)),
        pl.BlockSpec((BLK, EMBED), lambda i: (i, 0)),
    ],
    out_specs=pl.BlockSpec((BLK,), lambda i: (i,)),
    out_shape=jax.ShapeDtypeStruct((N_PAD,), jnp.float32),
)


def _shuffle_min(v, iota16):
    for sh in (8, 4, 2, 1):
        v = jnp.minimum(v, v.at[iota16 ^ sh].get(mode="promise_in_bounds"))
    return v


def _topk_body(dists_hbm, outd_hbm, outi_hbm,
               data_v, lv_v, li_v, shv_s, shi_s,
               mv_v, mi_v, fv_v, fi_v):
    c = lax.axis_index("c")
    s = lax.axis_index("s")
    base = s * PER_TILE
    pltpu.sync_copy(dists_hbm.at[pl.ds(base, PER_TILE)], data_v)

    iota16 = lax.iota(jnp.int32, 16)
    inf16 = jnp.full((16,), jnp.inf, jnp.float32)

    def to_scalar(splat):
        return splat[0]

    def group_min(g, gm):
        def chunk_min(ci, m):
            return jnp.minimum(m, data_v[pl.ds(g * GROUP + ci * 16, 16)])
        m = lax.fori_loop(0, G_CHUNKS, chunk_min, inf16)
        return jnp.where(iota16 == g, _shuffle_min(m, iota16), gm)
    gm0 = lax.fori_loop(0, N_GROUPS, group_min, inf16)

    def extract(k, carry):
        gm, lv0, lv1, li0, li1 = carry
        gval = _shuffle_min(gm, iota16)
        gstar = to_scalar(_shuffle_min(jnp.where(gm == gval, iota16, BIG_I),
                                       iota16))
        gbase = gstar * GROUP

        def scan_chunks(ci, cf):
            v = data_v[pl.ds(gbase + ci * 16, 16)]
            return jnp.where(v == gval, jnp.where(cf == G_CHUNKS, ci, cf), cf)
        cf = lax.fori_loop(0, G_CHUNKS, scan_chunks,
                           jnp.full((16,), G_CHUNKS, jnp.int32))
        poskey = to_scalar(_shuffle_min(cf * 16 + iota16, iota16))
        cstar = poskey // 16
        lstar = poskey % 16
        addr = gbase + cstar * 16
        ch = data_v[pl.ds(addr, 16)]
        data_v[pl.ds(addr, 16)] = jnp.where(iota16 == lstar, jnp.inf, ch)

        def chunk_min(ci, m):
            return jnp.minimum(m, data_v[pl.ds(gbase + ci * 16, 16)])
        m = lax.fori_loop(0, G_CHUNKS, chunk_min, inf16)
        gm = jnp.where(iota16 == gstar, _shuffle_min(m, iota16), gm)

        idx = base + gbase + poskey
        t0 = jnp.where(k < 16, k, -1)
        t1 = jnp.where(k < 16, -1, k - 16)
        lv0 = jnp.where(iota16 == t0, gval, lv0)
        lv1 = jnp.where(iota16 == t1, gval, lv1)
        li0 = jnp.where(iota16 == t0, idx, li0)
        li1 = jnp.where(iota16 == t1, idx, li1)
        return gm, lv0, lv1, li0, li1

    zero16 = jnp.zeros((16,), jnp.int32)
    _, lv0, lv1, li0, li1 = lax.fori_loop(
        0, K, extract, (gm0, inf16, inf16, zero16, zero16))
    lv_v[pl.ds(0, 16)] = lv0
    lv_v[pl.ds(16, 16)] = lv1
    li_v[pl.ds(0, 16)] = li0
    li_v[pl.ds(16, 16)] = li1

    pltpu.sync_copy(lv_v, shv_s.at[pl.ds(s * K, K)])
    pltpu.sync_copy(li_v, shi_s.at[pl.ds(s * K, K)])
    plsc.subcore_barrier()

    @pl.when((c == 0) & (s == 0))
    def _():
        pltpu.sync_copy(shv_s, mv_v.at[pl.ds(0, N_TILES * K)])
        pltpu.sync_copy(shi_s, mi_v.at[pl.ds(0, N_TILES * K)])

        def init_head(l, carry):
            h, hi = carry
            v = mv_v[pl.ds(l * K, 16)]
            vi = mi_v[pl.ds(l * K, 16)]
            lane = iota16 == l
            return jnp.where(lane, v[0], h), jnp.where(lane, vi[0], hi)
        h0, hi0 = lax.fori_loop(0, N_TILES, init_head, (inf16, zero16))

        def merge(k, carry):
            h, hi, ptrs, fv0, fv1, fi0, fi1 = carry
            gval = _shuffle_min(h, iota16)
            sel = _shuffle_min(jnp.where(h == gval, hi, BIG_I), iota16)
            bump = jnp.where(h == gval, jnp.where(hi == sel, 1, 0), 0)
            lstar = to_scalar(_shuffle_min(jnp.where(bump == 1, iota16, BIG_I),
                                           iota16))
            ptrs = ptrs + bump
            pstar = to_scalar(_shuffle_min(jnp.where(bump == 1, ptrs, BIG_I),
                                           iota16))
            addr = lstar * K + pstar
            nv = mv_v[pl.ds(addr, 16)][0]
            niv = mi_v[pl.ds(addr, 16)][0]
            nv = jnp.where(pstar >= K, jnp.inf, nv)
            h = jnp.where(iota16 == lstar, nv, h)
            hi = jnp.where(iota16 == lstar, niv, hi)
            t0 = jnp.where(k < 16, k, -1)
            t1 = jnp.where(k < 16, -1, k - 16)
            fv0 = jnp.where(iota16 == t0, gval, fv0)
            fv1 = jnp.where(iota16 == t1, gval, fv1)
            fi0 = jnp.where(iota16 == t0, sel, fi0)
            fi1 = jnp.where(iota16 == t1, sel, fi1)
            return h, hi, ptrs, fv0, fv1, fi0, fi1

        _, _, _, fv0, fv1, fi0, fi1 = lax.fori_loop(
            0, K, merge, (h0, hi0, zero16, inf16, inf16, zero16, zero16))
        fv_v[pl.ds(0, 16)] = fv0
        fv_v[pl.ds(16, 16)] = fv1
        fi_v[pl.ds(0, 16)] = fi0
        fi_v[pl.ds(16, 16)] = fi1
        pltpu.sync_copy(fv_v, outd_hbm)
        pltpu.sync_copy(fi_v, outi_hbm)


_topk_call = pl.kernel(
    _topk_body,
    out_type=[jax.ShapeDtypeStruct((K,), jnp.float32),
              jax.ShapeDtypeStruct((K,), jnp.int32)],
    mesh=plsc.VectorSubcoreMesh(core_axis_name="c", subcore_axis_name="s",
                                num_cores=1, num_subcores=N_TILES),
    scratch_types=[
        pltpu.VMEM((PER_TILE,), jnp.float32),
        pltpu.VMEM((K,), jnp.float32),
        pltpu.VMEM((K,), jnp.int32),
        pltpu.VMEM_SHARED((N_TILES * K,), jnp.float32),
        pltpu.VMEM_SHARED((N_TILES * K,), jnp.int32),
        pltpu.VMEM((N_TILES * K + 32,), jnp.float32),
        pltpu.VMEM((N_TILES * K + 32,), jnp.int32),
        pltpu.VMEM((K,), jnp.float32),
        pltpu.VMEM((K,), jnp.int32),
    ],
)


def kernel(query, doc_embeddings, top_k):
    q2d = query.reshape(1, EMBED)
    dists = _dist_call(q2d, doc_embeddings)
    dvals, didx = _topk_call(dists)
    distances = dvals.reshape(1, K)
    indices = didx.reshape(1, K)
    zero_k = top_k - top_k
    indices = (indices + zero_k.astype(indices.dtype)
               if hasattr(zero_k, "astype") else indices + zero_k)
    return (distances, indices)

# --- scband reference (transcript-rebuilt; emitter-appended) ---
"""Pipeline reference for scband-trainable-faiss-69827578298921 (READ-ONLY COPY).

The authoritative reference and input builder live on the scoring server;
editing this copy changes nothing except your own understanding.
"""

import jax, jax.numpy as jnp
import numpy as np

EMBED_DIM = 128
NUM_DOCS = 100000
TOP_K = 32


def setup_inputs(seed: int = 0) -> dict:
    key = jax.random.key(seed)
    k1, k2 = jax.random.split(key)
    query = jax.random.normal(k1, (EMBED_DIM,), dtype=jnp.float32)
    # learned parameter: nn.Embedding(num_docs, embed_dim) weight; FAISS index is
    # populated from this table via update_index(), so search is brute-force L2
    # over doc_embeddings.
    doc_embeddings = jax.random.normal(k2, (NUM_DOCS, EMBED_DIM), dtype=jnp.float32)
    return {"query": query, "doc_embeddings": doc_embeddings, "top_k": TOP_K}


def reference(query, doc_embeddings, top_k):
    # forward(query, top_k): query.unsqueeze(0) -> [1, d]; IndexFlatL2.search
    # returns SQUARED L2 distances of the top_k nearest docs and their indices.
    q = query[None, :]
    q_sq = jnp.sum(q * q, axis=1, keepdims=True)            # [1, 1]
    d_sq = jnp.sum(doc_embeddings * doc_embeddings, axis=1)  # [N]
    dists = q_sq + d_sq[None, :] - 2.0 * (q @ doc_embeddings.T)  # [1, N] squared L2
    neg_top, indices = jax.lax.top_k(-dists, TOP_K)          # smallest distances
    distances = -neg_top
    zero_k = top_k - top_k
    indices = indices + zero_k.astype(indices.dtype) if hasattr(zero_k, "astype") else indices + zero_k
    return (distances, indices)

if __name__ == "__main__":
    import jax
    _d = setup_inputs()
    print(jax.jit(kernel)(*tuple(_d.values())))

</pallas_src>

<mosaic_0001>
#map = affine_map<(d0, d1) -> (0)>
module attributes {stable_mosaic.version = 14 : i64} {
  func.func @_topk_body(%arg0: i32, %arg1: i32, %arg2: memref<102400xf32, #tpu.memory_space<hbm>>, %arg3: memref<32xf32, #tpu.memory_space<hbm>>, %arg4: memref<32xi32, #tpu.memory_space<hbm>>, %arg5: memref<6400xf32, #tpu.memory_space<vmem>>, %arg6: memref<32xf32, #tpu.memory_space<vmem>>, %arg7: memref<32xi32, #tpu.memory_space<vmem>>, %arg8: memref<512xf32, #tpu.memory_space<vmem_shared>>, %arg9: memref<512xi32, #tpu.memory_space<vmem_shared>>, %arg10: memref<544xf32, #tpu.memory_space<vmem>>, %arg11: memref<544xi32, #tpu.memory_space<vmem>>, %arg12: memref<32xf32, #tpu.memory_space<vmem>>, %arg13: memref<32xi32, #tpu.memory_space<vmem>>) attributes {dimension_semantics = [#tpu.dimension_semantics<core_parallel>, #tpu.dimension_semantics<subcore_parallel>], iteration_bounds = array<i64: 1, 16>, scalar_prefetch = 0 : i64, scratch_operands = 9 : i64, tpu.core_type = #tpu.core_type<sc_vector_subcore>, window_params = [{transform_indices = #map}, {transform_indices = #map}, {transform_indices = #map}]} {
    %mul3A = arith.constant 6400 : i32
    %mul3A_0 = arith.muli %arg1, %mul3A : i32
    "tpu.region"() ({
      %run_scoped3A = tpu.sem_alloc : memref<!tpu.dma_semaphore, #tpu.memory_space<semaphore_mem>>
      %dma_start3A = tpu.memref_slice %arg2[%mul3A_0] : memref<102400xf32, #tpu.memory_space<hbm>> -> memref<6400xf32, #tpu.memory_space<hbm>>
      %dma_start3A_38 = tpu.memref_slice %arg2[%mul3A_0] : memref<102400xf32, #tpu.memory_space<hbm>> -> memref<6400xf32, #tpu.memory_space<hbm>>
      tpu.enqueue_dma source(%dma_start3A_38 : memref<6400xf32, #tpu.memory_space<hbm>>) target(%arg5 : memref<6400xf32, #tpu.memory_space<vmem>>) target_semaphore(%run_scoped3A : memref<!tpu.dma_semaphore, #tpu.memory_space<semaphore_mem>>)
      %dma_wait3A = tpu.memref_slice %arg2[%mul3A_0] : memref<102400xf32, #tpu.memory_space<hbm>> -> memref<6400xf32, #tpu.memory_space<hbm>>
      %dma_wait3A_39 = tpu.memref_slice %arg2[%mul3A_0] : memref<102400xf32, #tpu.memory_space<hbm>> -> memref<6400xf32, #tpu.memory_space<hbm>>
      tpu.wait_dma2 semaphore(%run_scoped3A : memref<!tpu.dma_semaphore, #tpu.memory_space<semaphore_mem>>) src(%dma_wait3A_39 : memref<6400xf32, #tpu.memory_space<hbm>>) dst(%arg5 : memref<6400xf32, #tpu.memory_space<vmem>>)
      tpu.yield
    }) : () -> ()
    %iota3A = tpu.iota {dimensions = array<i32: 0>} : vector<16xi32>
    %broadcast_in_dim3A = arith.constant 0x7F800000 : f32
    %broadcast_in_dim3A_1 = vector.broadcast %broadcast_in_dim3A : f32 to vector<16xf32>
    %scan3A = arith.constant 0 : i32
    %scan3A_2 = arith.constant 16 : i32
    %scan3A_3 = arith.addi %scan3A, %scan3A_2 : i32
    %scan3A_4 = arith.constant 1 : i32
    %scan3A_5 = scf.for %scan3A_38 = %scan3A to %scan3A_3 step %scan3A_4 iter_args(%scan3A_39 = %broadcast_in_dim3A_1) -> (vector<16xf32>)  : i32 {
      %scan3A_40 = arith.constant 0 : i32
      %scan3A_41 = arith.constant 25 : i32
      %scan3A_42 = arith.addi %scan3A_40, %scan3A_41 : i32
      %scan3A_43 = arith.constant 1 : i32
      %scan3A_44 = scf.for %scan3A_99 = %scan3A_40 to %scan3A_42 step %scan3A_43 iter_args(%scan3A_100 = %broadcast_in_dim3A_1) -> (vector<16xf32>)  : i32 {
        %mul3A_101 = arith.constant 400 : i32
        %mul3A_102 = arith.muli %scan3A_38, %mul3A_101 : i32
        %mul3A_103 = arith.constant 16 : i32
        %mul3A_104 = arith.muli %scan3A_99, %mul3A_103 : i32
        %add3A_105 = arith.addi %mul3A_102, %mul3A_104 : i32
        %get3A = arith.index_cast %add3A_105 : i32 to index
        %get3A_106 = tpu.vector_load %arg5[%get3A] {strides = array<i32>} : memref<6400xf32, #tpu.memory_space<vmem>>, vector<16xf32>,
        %get3A_107 = vector.shape_cast %get3A_106 : vector<16xf32> to vector<16xf32>
        %min3A_108 = arith.minimumf %scan3A_100, %get3A_107 : vector<16xf32>
        scf.yield %min3A_108 : vector<16xf32>
      }
      %scan3A_45 = arith.constant 25 : i32
      %eq3A_46 = vector.broadcast %scan3A_38 : i32 to vector<16xi32>
      %eq3A_47 = arith.cmpi eq, %iota3A, %eq3A_46 : vector<16xi32>
      %xor3A = arith.constant 8 : i32
      %xor3A_48 = vector.broadcast %xor3A : i32 to vector<16xi32>
      %xor3A_49 = arith.xori %iota3A, %xor3A_48 : vector<16xi32>
      %lt3A = arith.constant 0 : i32
      %lt3A_50 = vector.broadcast %lt3A : i32 to vector<16xi32>
      %lt3A_51 = arith.cmpi slt, %xor3A_49, %lt3A_50 : vector<16xi32>
      %add3A = arith.constant 16 : i32
      %add3A_52 = vector.broadcast %add3A : i32 to vector<16xi32>
      %add3A_53 = arith.addi %xor3A_49, %add3A_52 : vector<16xi32>
      %select_n3A = arith.select %lt3A_51, %add3A_53, %xor3A_49 : vector<16xi1>, vector<16xi32>
      %broadcast_in_dim3A_54 = vector.shape_cast %select_n3A : vector<16xi32> to vector<16x1xi32>
      %gather3A = vector.shape_cast %broadcast_in_dim3A_54 : vector<16x1xi32> to vector<16xi32>
      %gather3A_55 = tpu.dynamic_gather %scan3A_44[%gather3A] in [0] : vector<16xf32>, vector<16xi32> -> vector<16xf32>
      %min3A = arith.minimumf %scan3A_44, %gather3A_55 : vector<16xf32>
      %xor3A_56 = arith.constant 4 : i32
      %xor3A_57 = vector.broadcast %xor3A_56 : i32 to vector<16xi32>
      %xor3A_58 = arith.xori %iota3A, %xor3A_57 : vector<16xi32>
      %lt3A_59 = arith.constant 0 : i32
      %lt3A_60 = vector.broadcast %lt3A_59 : i32 to vector<16xi32>
      %lt3A_61 = arith.cmpi slt, %xor3A_58, %lt3A_60 : vector<16xi32>
      %add3A_62 = arith.constant 16 : i32
      %add3A_63 = vector.broadcast %add3A_62 : i32 to vector<16xi32>
      %add3A_64 = arith.addi %xor3A_58, %add3A_63 : vector<16xi32>
      %select_n3A_65 = arith.select %lt3A_61, %add3A_64, %xor3A_58 : vector<16xi1>, vector<16xi32>
      %broadcast_in_dim3A_66 = vector.shape_cast %select_n3A_65 : vector<16xi32> to vector<16x1xi32>
      %gather3A_67 = vector.shape_cast %broadcast_in_dim3A_66 : vector<16x1xi32> to vector<16xi32>
      %gather3A_68 = tpu.dynamic_gather %min3A[%gather3A_67] in [0] : vector<16xf32>, vector<16xi32> -> vector<16xf32>
      %min3A_69 = arith.minimumf %min3A, %gather3A_68 : vector<16xf32>
      %xor3A_70 = arith.constant 2 : i32
      %xor3A_71 = vector.broadcast %xor3A_70 : i32 to vector<16xi32>
      %xor3A_72 = arith.xori %iota3A, %xor3A_71 : vector<16xi32>
      %lt3A_73 = arith.constant 0 : i32
      %lt3A_74 = vector.broadcast %lt3A_73 : i32 to vector<16xi32>
      %lt3A_75 = arith.cmpi slt, %xor3A_72, %lt3A_74 : vector<16xi32>
      %add3A_76 = arith.constant 16 : i32
      %add3A_77 = vector.broadcast %add3A_76 : i32 to vector<16xi32>
      %add3A_78 = arith.addi %xor3A_72, %add3A_77 : vector<16xi32>
      %select_n3A_79 = arith.select %lt3A_75, %add3A_78, %xor3A_72 : vector<16xi1>, vector<16xi32>
      %broadcast_in_dim3A_80 = vector.shape_cast %select_n3A_79 : vector<16xi32> to vector<16x1xi32>
      %gather3A_81 = vector.shape_cast %broadcast_in_dim3A_80 : vector<16x1xi32> to vector<16xi32>
      %gather3A_82 = tpu.dynamic_gather %min3A_69[%gather3A_81] in [0] : vector<16xf32>, vector<16xi32> -> vector<16xf32>
      %min3A_83 = arith.minimumf %min3A_69, %gather3A_82 : vector<16xf32>
      %xor3A_84 = arith.constant 1 : i32
      %xor3A_85 = vector.broadcast %xor3A_84 : i32 to vector<16xi32>
      %xor3A_86 = arith.xori %iota3A, %xor3A_85 : vector<16xi32>
      %lt3A_87 = arith.constant 0 : i32
      %lt3A_88 = vector.broadcast %lt3A_87 : i32 to vector<16xi32>
      %lt3A_89 = arith.cmpi slt, %xor3A_86, %lt3A_88 : vector<16xi32>
      %add3A_90 = arith.constant 16 : i32
      %add3A_91 = vector.broadcast %add3A_90 : i32 to vector<16xi32>
      %add3A_92 = arith.addi %xor3A_86, %add3A_91 : vector<16xi32>
      %select_n3A_93 = arith.select %lt3A_89, %add3A_92, %xor3A_86 : vector<16xi1>, vector<16xi32>
      %broadcast_in_dim3A_94 = vector.shape_cast %select_n3A_93 : vector<16xi32> to vector<16x1xi32>
      %gather3A_95 = vector.shape_cast %broadcast_in_dim3A_94 : vector<16x1xi32> to vector<16xi32>
      %gather3A_96 = tpu.dynamic_gather %min3A_83[%gather3A_95] in [0] : vector<16xf32>, vector<16xi32> -> vector<16xf32>
      %min3A_97 = arith.minimumf %min3A_83, %gather3A_96 : vector<16xf32>
      %select_n3A_98 = arith.select %eq3A_47, %min3A_97, %scan3A_39 : vector<16xi1>, vector<16xf32>
      scf.yield %select_n3A_98 : vector<16xf32>
    }
    %scan3A_6 = arith.constant 16 : i32
    %broadcast_in_dim3A_7 = arith.constant 0 : i32
    %broadcast_in_dim3A_8 = vector.broadcast %broadcast_in_dim3A_7 : i32 to vector<16xi32>
    %scan3A_9 = arith.constant 0 : i32
    %scan3A_10 = arith.constant 32 : i32
    %scan3A_11 = arith.addi %scan3A_9, %scan3A_10 : i32
    %scan3A_12 = arith.constant 1 : i32
    %scan3A_13:5 = scf.for %scan3A_38 = %scan3A_9 to %scan3A_11 step %scan3A_12 iter_args(%scan3A_39 = %scan3A_5, %scan3A_40 = %broadcast_in_dim3A_1, %scan3A_41 = %broadcast_in_dim3A_1, %scan3A_42 = %broadcast_in_dim3A_8, %scan3A_43 = %broadcast_in_dim3A_8) -> (vector<16xf32>, vector<16xf32>, vector<16xf32>, vector<16xi32>, vector<16xi32>)  : i32 {
      %xor3A = arith.constant 8 : i32
      %xor3A_44 = vector.broadcast %xor3A : i32 to vector<16xi32>
      %xor3A_45 = arith.xori %iota3A, %xor3A_44 : vector<16xi32>
      %lt3A = arith.constant 0 : i32
      %lt3A_46 = vector.broadcast %lt3A : i32 to vector<16xi32>
      %lt3A_47 = arith.cmpi slt, %xor3A_45, %lt3A_46 : vector<16xi32>
      %add3A = arith.constant 16 : i32
      %add3A_48 = vector.broadcast %add3A : i32 to vector<16xi32>
      %add3A_49 = arith.addi %xor3A_45, %add3A_48 : vector<16xi32>
      %select_n3A = arith.select %lt3A_47, %add3A_49, %xor3A_45 : vector<16xi1>, vector<16xi32>
      %broadcast_in_dim3A_50 = vector.shape_cast %select_n3A : vector<16xi32> to vector<16x1xi32>
      %gather3A = vector.shape_cast %broadcast_in_dim3A_50 : vector<16x1xi32> to vector<16xi32>
      %gather3A_51 = tpu.dynamic_gather %scan3A_39[%gather3A] in [0] : vector<16xf32>, vector<16xi32> -> vector<16xf32>
      %min3A = arith.minimumf %scan3A_39, %gather3A_51 : vector<16xf32>
      %xor3A_52 = arith.constant 4 : i32
      %xor3A_53 = vector.broadcast %xor3A_52 : i32 to vector<16xi32>
      %xor3A_54 = arith.xori %iota3A, %xor3A_53 : vector<16xi32>
      %lt3A_55 = arith.constant 0 : i32
      %lt3A_56 = vector.broadcast %lt3A_55 : i32 to vector<16xi32>
      %lt3A_57 = arith.cmpi slt, %xor3A_54, %lt3A_56 : vector<16xi32>
      %add3A_58 = arith.constant 16 : i32
      %add3A_59 = vector.broadcast %add3A_58 : i32 to vector<16xi32>
      %add3A_60 = arith.addi %xor3A_54, %add3A_59 : vector<16xi32>
      %select_n3A_61 = arith.select %lt3A_57, %add3A_60, %xor3A_54 : vector<16xi1>, vector<16xi32>
      %broadcast_in_dim3A_62 = vector.shape_cast %select_n3A_61 : vector<16xi32> to vector<16x1xi32>
      %gather3A_63 = vector.shape_cast %broadcast_in_dim3A_62 : vector<16x1xi32> to vector<16xi32>
      %gather3A_64 = tpu.dynamic_gather %min3A[%gather3A_63] in [0] : vector<16xf32>, vector<16xi32> -> vector<16xf32>
      %min3A_65 = arith.minimumf %min3A, %gather3A_64 : vector<16xf32>
      %xor3A_66 = arith.constant 2 : i32
      %xor3A_67 = vector.broadcast %xor3A_66 : i32 to vector<16xi32>
      %xor3A_68 = arith.xori %iota3A, %xor3A_67 : vector<16xi32>
      %lt3A_69 = arith.constant 0 : i32
      %lt3A_70 = vector.broadcast %lt3A_69 : i32 to vector<16xi32>
      %lt3A_71 = arith.cmpi slt, %xor3A_68, %lt3A_70 : vector<16xi32>
      %add3A_72 = arith.constant 16 : i32
      %add3A_73 = vector.broadcast %add3A_72 : i32 to vector<16xi32>
      %add3A_74 = arith.addi %xor3A_68, %add3A_73 : vector<16xi32>
      %select_n3A_75 = arith.select %lt3A_71, %add3A_74, %xor3A_68 : vector<16xi1>, vector<16xi32>
      %broadcast_in_dim3A_76 = vector.shape_cast %select_n3A_75 : vector<16xi32> to vector<16x1xi32>
      %gather3A_77 = vector.shape_cast %broadcast_in_dim3A_76 : vector<16x1xi32> to vector<16xi32>
      %gather3A_78 = tpu.dynamic_gather %min3A_65[%gather3A_77] in [0] : vector<16xf32>, vector<16xi32> -> vector<16xf32>
      %min3A_79 = arith.minimumf %min3A_65, %gather3A_78 : vector<16xf32>
      %xor3A_80 = arith.constant 1 : i32
      %xor3A_81 = vector.broadcast %xor3A_80 : i32 to vector<16xi32>
      %xor3A_82 = arith.xori %iota3A, %xor3A_81 : vector<16xi32>
      %lt3A_83 = arith.constant 0 : i32
      %lt3A_84 = vector.broadcast %lt3A_83 : i32 to vector<16xi32>
      %lt3A_85 = arith.cmpi slt, %xor3A_82, %lt3A_84 : vector<16xi32>
      %add3A_86 = arith.constant 16 : i32
      %add3A_87 = vector.broadcast %add3A_86 : i32 to vector<16xi32>
      %add3A_88 = arith.addi %xor3A_82, %add3A_87 : vector<16xi32>
      %select_n3A_89 = arith.select %lt3A_85, %add3A_88, %xor3A_82 : vector<16xi1>, vector<16xi32>
      %broadcast_in_dim3A_90 = vector.shape_cast %select_n3A_89 : vector<16xi32> to vector<16x1xi32>
      %gather3A_91 = vector.shape_cast %broadcast_in_dim3A_90 : vector<16x1xi32> to vector<16xi32>
      %gather3A_92 = tpu.dynamic_gather %min3A_79[%gather3A_91] in [0] : vector<16xf32>, vector<16xi32> -> vector<16xf32>
      %min3A_93 = arith.minimumf %min3A_79, %gather3A_92 : vector<16xf32>
      %eq3A_94 = arith.cmpf oeq, %scan3A_39, %min3A_93 : vector<16xf32>
      %jit3A = arith.constant 2147483647 : i32
      %broadcast_in_dim3A_95 = vector.broadcast %jit3A : i32 to vector<16xi32>
      %select_n3A_96 = arith.select %eq3A_94, %iota3A, %broadcast_in_dim3A_95 : vector<16xi1>, vector<16xi32>
      %xor3A_97 = arith.constant 8 : i32
      %xor3A_98 = vector.broadcast %xor3A_97 : i32 to vector<16xi32>
      %xor3A_99 = arith.xori %iota3A, %xor3A_98 : vector<16xi32>
      %lt3A_100 = arith.constant 0 : i32
      %lt3A_101 = vector.broadcast %lt3A_100 : i32 to vector<16xi32>
      %lt3A_102 = arith.cmpi slt, %xor3A_99, %lt3A_101 : vector<16xi32>
      %add3A_103 = arith.constant 16 : i32
      %add3A_104 = vector.broadcast %add3A_103 : i32 to vector<16xi32>
      %add3A_105 = arith.addi %xor3A_99, %add3A_104 : vector<16xi32>
      %select_n3A_106 = arith.select %lt3A_102, %add3A_105, %xor3A_99 : vector<16xi1>, vector<16xi32>
      %broadcast_in_dim3A_107 = vector.shape_cast %select_n3A_106 : vector<16xi32> to vector<16x1xi32>
      %gather3A_108 = vector.shape_cast %broadcast_in_dim3A_107 : vector<16x1xi32> to vector<16xi32>
      %gather3A_109 = tpu.dynamic_gather %select_n3A_96[%gather3A_108] in [0] : vector<16xi32>, vector<16xi32> -> vector<16xi32>
      %min3A_110 = arith.minsi %select_n3A_96, %gather3A_109 : vector<16xi32>
      %xor3A_111 = arith.constant 4 : i32
      %xor3A_112 = vector.broadcast %xor3A_111 : i32 to vector<16xi32>
      %xor3A_113 = arith.xori %iota3A, %xor3A_112 : vector<16xi32>
      %lt3A_114 = arith.constant 0 : i32
      %lt3A_115 = vector.broadcast %lt3A_114 : i32 to vector<16xi32>
      %lt3A_116 = arith.cmpi slt, %xor3A_113, %lt3A_115 : vector<16xi32>
      %add3A_117 = arith.constant 16 : i32
      %add3A_118 = vector.broadcast %add3A_117 : i32 to vector<16xi32>
      %add3A_119 = arith.addi %xor3A_113, %add3A_118 : vector<16xi32>
      %select_n3A_120 = arith.select %lt3A_116, %add3A_119, %xor3A_113 : vector<16xi1>, vector<16xi32>
      %broadcast_in_dim3A_121 = vector.shape_cast %select_n3A_120 : vector<16xi32> to vector<16x1xi32>
      %gather3A_122 = vector.shape_cast %broadcast_in_dim3A_121 : vector<16x1xi32> to vector<16xi32>
      %gather3A_123 = tpu.dynamic_gather %min3A_110[%gather3A_122] in [0] : vector<16xi32>, vector<16xi32> -> vector<16xi32>
      %min3A_124 = arith.minsi %min3A_110, %gather3A_123 : vector<16xi32>
      %xor3A_125 = arith.constant 2 : i32
      %xor3A_126 = vector.broadcast %xor3A_125 : i32 to vector<16xi32>
      %xor3A_127 = arith.xori %iota3A, %xor3A_126 : vector<16xi32>
      %lt3A_128 = arith.constant 0 : i32
      %lt3A_129 = vector.broadcast %lt3A_128 : i32 to vector<16xi32>
      %lt3A_130 = arith.cmpi slt, %xor3A_127, %lt3A_129 : vector<16xi32>
      %add3A_131 = arith.constant 16 : i32
      %add3A_132 = vector.broadcast %add3A_131 : i32 to vector<16xi32>
      %add3A_133 = arith.addi %xor3A_127, %add3A_132 : vector<16xi32>
      %select_n3A_134 = arith.select %lt3A_130, %add3A_133, %xor3A_127 : vector<16xi1>, vector<16xi32>
      %broadcast_in_dim3A_135 = vector.shape_cast %select_n3A_134 : vector<16xi32> to vector<16x1xi32>
      %gather3A_136 = vector.shape_cast %broadcast_in_dim3A_135 : vector<16x1xi32> to vector<16xi32>
      %gather3A_137 = tpu.dynamic_gather %min3A_124[%gather3A_136] in [0] : vector<16xi32>, vector<16xi32> -> vector<16xi32>
      %min3A_138 = arith.minsi %min3A_124, %gather3A_137 : vector<16xi32>
      %xor3A_139 = arith.constant 1 : i32
      %xor3A_140 = vector.broadcast %xor3A_139 : i32 to vector<16xi32>
      %xor3A_141 = arith.xori %iota3A, %xor3A_140 : vector<16xi32>
      %lt3A_142 = arith.constant 0 : i32
      %lt3A_143 = vector.broadcast %lt3A_142 : i32 to vector<16xi32>
      %lt3A_144 = arith.cmpi slt, %xor3A_141, %lt3A_143 : vector<16xi32>
      %add3A_145 = arith.constant 16 : i32
      %add3A_146 = vector.broadcast %add3A_145 : i32 to vector<16xi32>
      %add3A_147 = arith.addi %xor3A_141, %add3A_146 : vector<16xi32>
      %select_n3A_148 = arith.select %lt3A_144, %add3A_147, %xor3A_141 : vector<16xi1>, vector<16xi32>
      %broadcast_in_dim3A_149 = vector.shape_cast %select_n3A_148 : vector<16xi32> to vector<16x1xi32>
      %gather3A_150 = vector.shape_cast %broadcast_in_dim3A_149 : vector<16x1xi32> to vector<16xi32>
      %gather3A_151 = tpu.dynamic_gather %min3A_138[%gather3A_150] in [0] : vector<16xi32>, vector<16xi32> -> vector<16xi32>
      %min3A_152 = arith.minsi %min3A_138, %gather3A_151 : vector<16xi32>
      %slice3A = vector.extract_strided_slice %min3A_152 {offsets = [0], sizes = [1], strides = [1]} : vector<16xi32> to vector<1xi32>
      %squeeze3A = vector.extract %slice3A[0] : i32 from vector<1xi32>
      %mul3A_153 = arith.constant 400 : i32
      %mul3A_154 = arith.muli %squeeze3A, %mul3A_153 : i32
      %broadcast_in_dim3A_155 = arith.constant 25 : i32
      %broadcast_in_dim3A_156 = vector.broadcast %broadcast_in_dim3A_155 : i32 to vector<16xi32>
      %scan3A_157 = arith.constant 0 : i32
      %scan3A_158 = arith.constant 25 : i32
      %scan3A_159 = arith.addi %scan3A_157, %scan3A_158 : i32
      %scan3A_160 = arith.constant 1 : i32
      %scan3A_161 = scf.for %scan3A_365 = %scan3A_157 to %scan3A_159 step %scan3A_160 iter_args(%scan3A_366 = %broadcast_in_dim3A_156) -> (vector<16xi32>)  : i32 {
        %mul3A_367 = arith.constant 16 : i32
        %mul3A_368 = arith.muli %scan3A_365, %mul3A_367 : i32
        %add3A_369 = arith.addi %mul3A_154, %mul3A_368 : i32
        %get3A_370 = arith.index_cast %add3A_369 : i32 to index
        %get3A_371 = tpu.vector_load %arg5[%get3A_370] {strides = array<i32>} : memref<6400xf32, #tpu.memory_space<vmem>>, vector<16xf32>,
        %get3A_372 = vector.shape_cast %get3A_371 : vector<16xf32> to vector<16xf32>
        %eq3A_373 = arith.cmpf oeq, %get3A_372, %min3A_93 : vector<16xf32>
        %eq3A_374 = arith.constant 25 : i32
        %eq3A_375 = vector.broadcast %eq3A_374 : i32 to vector<16xi32>
        %eq3A_376 = arith.cmpi eq, %scan3A_366, %eq3A_375 : vector<16xi32>
        %broadcast_in_dim3A_377 = vector.broadcast %scan3A_365 : i32 to vector<16xi32>
        %select_n3A_378 = arith.select %eq3A_376, %broadcast_in_dim3A_377, %scan3A_366 : vector<16xi1>, vector<16xi32>
        %select_n3A_379 = arith.select %eq3A_373, %select_n3A_378, %scan3A_366 : vector<16xi1>, vector<16xi32>
        scf.yield %select_n3A_379 : vector<16xi32>
      }
      %scan3A_162 = arith.constant 25 : i32
      %mul3A_163 = arith.constant 16 : i32
      %mul3A_164 = vector.broadcast %mul3A_163 : i32 to vector<16xi32>
      %mul3A_165 = arith.muli %scan3A_161, %mul3A_164 : vector<16xi32>
      %add3A_166 = arith.addi %mul3A_165, %iota3A : vector<16xi32>
      %xor3A_167 = arith.constant 8 : i32
      %xor3A_168 = vector.broadcast %xor3A_167 : i32 to vector<16xi32>
      %xor3A_169 = arith.xori %iota3A, %xor3A_168 : vector<16xi32>
      %lt3A_170 = arith.constant 0 : i32
      %lt3A_171 = vector.broadcast %lt3A_170 : i32 to vector<16xi32>
      %lt3A_172 = arith.cmpi slt, %xor3A_169, %lt3A_171 : vector<16xi32>
      %add3A_173 = arith.constant 16 : i32
      %add3A_174 = vector.broadcast %add3A_173 : i32 to vector<16xi32>
      %add3A_175 = arith.addi %xor3A_169, %add3A_174 : vector<16xi32>
      %select_n3A_176 = arith.select %lt3A_172, %add3A_175, %xor3A_169 : vector<16xi1>, vector<16xi32>
      %broadcast_in_dim3A_177 = vector.shape_cast %select_n3A_176 : vector<16xi32> to vector<16x1xi32>
      %gather3A_178 = vector.shape_cast %broadcast_in_dim3A_177 : vector<16x1xi32> to vector<16xi32>
      %gather3A_179 = tpu.dynamic_gather %add3A_166[%gather3A_178] in [0] : vector<16xi32>, vector<16xi32> -> vector<16xi32>
      %min3A_180 = arith.minsi %add3A_166, %gather3A_179 : vector<16xi32>
      %xor3A_181 = arith.constant 4 : i32
      %xor3A_182 = vector.broadcast %xor3A_181 : i32 to vector<16xi32>
      %xor3A_183 = arith.xori %iota3A, %xor3A_182 : vector<16xi32>
      %lt3A_184 = arith.constant 0 : i32
      %lt3A_185 = vector.broadcast %lt3A_184 : i32 to vector<16xi32>
      %lt3A_186 = arith.cmpi slt, %xor3A_183, %lt3A_185 : vector<16xi32>
      %add3A_187 = arith.constant 16 : i32
      %add3A_188 = vector.broadcast %add3A_187 : i32 to vector<16xi32>
      %add3A_189 = arith.addi %xor3A_183, %add3A_188 : vector<16xi32>
      %select_n3A_190 = arith.select %lt3A_186, %add3A_189, %xor3A_183 : vector<16xi1>, vector<16xi32>
      %broadcast_in_dim3A_191 = vector.shape_cast %select_n3A_190 : vector<16xi32> to vector<16x1xi32>
      %gather3A_192 = vector.shape_cast %broadcast_in_dim3A_191 : vector<16x1xi32> to vector<16xi32>
      %gather3A_193 = tpu.dynamic_gather %min3A_180[%gather3A_192] in [0] : vector<16xi32>, vector<16xi32> -> vector<16xi32>
      %min3A_194 = arith.minsi %min3A_180, %gather3A_193 : vector<16xi32>
      %xor3A_195 = arith.constant 2 : i32
      %xor3A_196 = vector.broadcast %xor3A_195 : i32 to vector<16xi32>
      %xor3A_197 = arith.xori %iota3A, %xor3A_196 : vector<16xi32>
      %lt3A_198 = arith.constant 0 : i32
      %lt3A_199 = vector.broadcast %lt3A_198 : i32 to vector<16xi32>
      %lt3A_200 = arith.cmpi slt, %xor3A_197, %lt3A_199 : vector<16xi32>
      %add3A_201 = arith.constant 16 : i32
      %add3A_202 = vector.broadcast %add3A_201 : i32 to vector<16xi32>
      %add3A_203 = arith.addi %xor3A_197, %add3A_202 : vector<16xi32>
      %select_n3A_204 = arith.select %lt3A_200, %add3A_203, %xor3A_197 : vector<16xi1>, vector<16xi32>
      %broadcast_in_dim3A_205 = vector.shape_cast %select_n3A_204 : vector<16xi32> to vector<16x1xi32>
      %gather3A_206 = vector.shape_cast %broadcast_in_dim3A_205 : vector<16x1xi32> to vector<16xi32>
      %gather3A_207 = tpu.dynamic_gather %min3A_194[%gather3A_206] in [0] : vector<16xi32>, vector<16xi32> -> vector<16xi32>
      %min3A_208 = arith.minsi %min3A_194, %gather3A_207 : vector<16xi32>
      %xor3A_209 = arith.constant 1 : i32
      %xor3A_210 = vector.broadcast %xor3A_209 : i32 to vector<16xi32>
      %xor3A_211 = arith.xori %iota3A, %xor3A_210 : vector<16xi32>
      %lt3A_212 = arith.constant 0 : i32
      %lt3A_213 = vector.broadcast %lt3A_212 : i32 to vector<16xi32>
      %lt3A_214 = arith.cmpi slt, %xor3A_211, %lt3A_213 : vector<16xi32>
      %add3A_215 = arith.constant 16 : i32
      %add3A_216 = vector.broadcast %add3A_215 : i32 to vector<16xi32>
      %add3A_217 = arith.addi %xor3A_211, %add3A_216 : vector<16xi32>
      %select_n3A_218 = arith.select %lt3A_214, %add3A_217, %xor3A_211 : vector<16xi1>, vector<16xi32>
      %broadcast_in_dim3A_219 = vector.shape_cast %select_n3A_218 : vector<16xi32> to vector<16x1xi32>
      %gather3A_220 = vector.shape_cast %broadcast_in_dim3A_219 : vector<16x1xi32> to vector<16xi32>
      %gather3A_221 = tpu.dynamic_gather %min3A_208[%gather3A_220] in [0] : vector<16xi32>, vector<16xi32> -> vector<16xi32>
      %min3A_222 = arith.minsi %min3A_208, %gather3A_221 : vector<16xi32>
      %slice3A_223 = vector.extract_strided_slice %min3A_222 {offsets = [0], sizes = [1], strides = [1]} : vector<16xi32> to vector<1xi32>
      %squeeze3A_224 = vector.extract %slice3A_223[0] : i32 from vector<1xi32>
      %jit3A_225 = arith.constant 16 : i32
      %div3A = arith.divsi %squeeze3A_224, %jit3A_225 : i32
      %sign3A = arith.constant 0 : i32
      %sign3A_226 = arith.cmpi sgt, %squeeze3A_224, %sign3A : i32
      %sign3A_227 = arith.extui %sign3A_226 : i1 to i32
      %sign3A_228 = arith.constant 0 : i32
      %sign3A_229 = arith.cmpi slt, %squeeze3A_224, %sign3A_228 : i32
      %sign3A_230 = arith.extui %sign3A_229 : i1 to i32
      %sign3A_231 = arith.subi %sign3A_227, %sign3A_230 : i32
      %sign3A_232 = arith.constant 0 : i32
      %sign3A_233 = arith.cmpi sgt, %jit3A_225, %sign3A_232 : i32
      %sign3A_234 = arith.extui %sign3A_233 : i1 to i32
      %sign3A_235 = arith.constant 0 : i32
      %sign3A_236 = arith.cmpi slt, %jit3A_225, %sign3A_235 : i32
      %sign3A_237 = arith.extui %sign3A_236 : i1 to i32
      %sign3A_238 = arith.subi %sign3A_234, %sign3A_237 : i32
      %ne3A = arith.cmpi ne, %sign3A_231, %sign3A_238 : i32
      %rem3A = arith.remsi %squeeze3A_224, %jit3A_225 : i32
      %ne3A_239 = arith.constant 0 : i32
      %ne3A_240 = arith.cmpi ne, %rem3A, %ne3A_239 : i32
      %and3A_241 = arith.andi %ne3A, %ne3A_240 : i1
      %sub3A = arith.constant 1 : i32
      %sub3A_242 = arith.subi %div3A, %sub3A : i32
      %select_n3A_243 = arith.select %and3A_241, %sub3A_242, %div3A : i32
      %jit3A_244 = arith.constant 16 : i32
      %eq3A_245 = arith.constant 0 : i32
      %eq3A_246 = arith.cmpi eq, %jit3A_244, %eq3A_245 : i32
      %jit3A_247 = arith.constant 1 : i32
      %select_n3A_248 = arith.select %eq3A_246, %jit3A_247, %jit3A_244 : i32
      %rem3A_249 = arith.remsi %squeeze3A_224, %select_n3A_248 : i32
      %ne3A_250 = arith.constant 0 : i32
      %ne3A_251 = arith.cmpi ne, %rem3A_249, %ne3A_250 : i32
      %lt3A_252 = arith.constant 0 : i32
      %lt3A_253 = arith.cmpi slt, %rem3A_249, %lt3A_252 : i32
      %lt3A_254 = arith.constant 0 : i32
      %lt3A_255 = arith.cmpi slt, %select_n3A_248, %lt3A_254 : i32
      %ne3A_256 = arith.xori %lt3A_253, %lt3A_255 : i1
      %and3A_257 = arith.andi %ne3A_256, %ne3A_251 : i1
      %add3A_258 = arith.addi %rem3A_249, %select_n3A_248 : i32
      %select_n3A_259 = arith.select %and3A_257, %add3A_258, %rem3A_249 : i32
      %mul3A_260 = arith.constant 16 : i32
      %mul3A_261 = arith.muli %select_n3A_243, %mul3A_260 : i32
      %add3A_262 = arith.addi %mul3A_154, %mul3A_261 : i32
      %get3A = arith.index_cast %add3A_262 : i32 to index
      %get3A_263 = tpu.vector_load %arg5[%get3A] {strides = array<i32>} : memref<6400xf32, #tpu.memory_space<vmem>>, vector<16xf32>,
      %get3A_264 = vector.shape_cast %get3A_263 : vector<16xf32> to vector<16xf32>
      %eq3A_265 = vector.broadcast %select_n3A_259 : i32 to vector<16xi32>
      %eq3A_266 = arith.cmpi eq, %iota3A, %eq3A_265 : vector<16xi32>
      %jit3A_267 = arith.constant 0x7F800000 : f32
      %broadcast_in_dim3A_268 = vector.broadcast %jit3A_267 : f32 to vector<16xf32>
      %select_n3A_269 = arith.select %eq3A_266, %broadcast_in_dim3A_268, %get3A_264 : vector<16xi1>, vector<16xf32>
      %swap3A_270 = arith.index_cast %add3A_262 : i32 to index
      %swap3A_271 = tpu.vector_load %arg5[%swap3A_270] {strides = array<i32>} : memref<6400xf32, #tpu.memory_space<vmem>>, vector<16xf32>,
      %swap3A_272 = vector.shape_cast %swap3A_271 : vector<16xf32> to vector<16xf32>
      %swap3A_273 = vector.shape_cast %select_n3A_269 : vector<16xf32> to vector<16xf32>
      tpu.vector_store %arg5[%swap3A_270], %swap3A_273 {strides = array<i32>} : memref<6400xf32, #tpu.memory_space<vmem>>, vector<16xf32>,
      %scan3A_274 = arith.constant 0 : i32
      %scan3A_275 = arith.constant 25 : i32
      %scan3A_276 = arith.addi %scan3A_274, %scan3A_275 : i32
      %scan3A_277 = arith.constant 1 : i32
      %scan3A_278 = scf.for %scan3A_365 = %scan3A_274 to %scan3A_276 step %scan3A_277 iter_args(%scan3A_366 = %broadcast_in_dim3A_1) -> (vector<16xf32>)  : i32 {
        %mul3A_367 = arith.constant 16 : i32
        %mul3A_368 = arith.muli %scan3A_365, %mul3A_367 : i32
        %add3A_369 = arith.addi %mul3A_154, %mul3A_368 : i32
        %get3A_370 = arith.index_cast %add3A_369 : i32 to index
        %get3A_371 = tpu.vector_load %arg5[%get3A_370] {strides = array<i32>} : memref<6400xf32, #tpu.memory_space<vmem>>, vector<16xf32>,
        %get3A_372 = vector.shape_cast %get3A_371 : vector<16xf32> to vector<16xf32>
        %min3A_373 = arith.minimumf %scan3A_366, %get3A_372 : vector<16xf32>
        scf.yield %min3A_373 : vector<16xf32>
      }
      %scan3A_279 = arith.constant 25 : i32
      %eq3A_280 = vector.broadcast %squeeze3A : i32 to vector<16xi32>
      %eq3A_281 = arith.cmpi eq, %iota3A, %eq3A_280 : vector<16xi32>
      %xor3A_282 = arith.constant 8 : i32
      %xor3A_283 = vector.broadcast %xor3A_282 : i32 to vector<16xi32>
      %xor3A_284 = arith.xori %iota3A, %xor3A_283 : vector<16xi32>
      %lt3A_285 = arith.constant 0 : i32
      %lt3A_286 = vector.broadcast %lt3A_285 : i32 to vector<16xi32>
      %lt3A_287 = arith.cmpi slt, %xor3A_284, %lt3A_286 : vector<16xi32>
      %add3A_288 = arith.constant 16 : i32
      %add3A_289 = vector.broadcast %add3A_288 : i32 to vector<16xi32>
      %add3A_290 = arith.addi %xor3A_284, %add3A_289 : vector<16xi32>
      %select_n3A_291 = arith.select %lt3A_287, %add3A_290, %xor3A_284 : vector<16xi1>, vector<16xi32>
      %broadcast_in_dim3A_292 = vector.shape_cast %select_n3A_291 : vector<16xi32> to vector<16x1xi32>
      %gather3A_293 = vector.shape_cast %broadcast_in_dim3A_292 : vector<16x1xi32> to vector<16xi32>
      %gather3A_294 = tpu.dynamic_gather %scan3A_278[%gather3A_293] in [0] : vector<16xf32>, vector<16xi32> -> vector<16xf32>
      %min3A_295 = arith.minimumf %scan3A_278, %gather3A_294 : vector<16xf32>
      %xor3A_296 = arith.constant 4 : i32
      %xor3A_297 = vector.broadcast %xor3A_296 : i32 to vector<16xi32>
      %xor3A_298 = arith.xori %iota3A, %xor3A_297 : vector<16xi32>
      %lt3A_299 = arith.constant 0 : i32
      %lt3A_300 = vector.broadcast %lt3A_299 : i32 to vector<16xi32>
      %lt3A_301 = arith.cmpi slt, %xor3A_298, %lt3A_300 : vector<16xi32>
      %add3A_302 = arith.constant 16 : i32
      %add3A_303 = vector.broadcast %add3A_302 : i32 to vector<16xi32>
      %add3A_304 = arith.addi %xor3A_298, %add3A_303 : vector<16xi32>
      %select_n3A_305 = arith.select %lt3A_301, %add3A_304, %xor3A_298 : vector<16xi1>, vector<16xi32>
      %broadcast_in_dim3A_306 = vector.shape_cast %select_n3A_305 : vector<16xi32> to vector<16x1xi32>
      %gather3A_307 = vector.shape_cast %broadcast_in_dim3A_306 : vector<16x1xi32> to vector<16xi32>
      %gather3A_308 = tpu.dynamic_gather %min3A_295[%gather3A_307] in [0] : vector<16xf32>, vector<16xi32> -> vector<16xf32>
      %min3A_309 = arith.minimumf %min3A_295, %gather3A_308 : vector<16xf32>
      %xor3A_310 = arith.constant 2 : i32
      %xor3A_311 = vector.broadcast %xor3A_310 : i32 to vector<16xi32>
      %xor3A_312 = arith.xori %iota3A, %xor3A_311 : vector<16xi32>
      %lt3A_313 = arith.constant 0 : i32
      %lt3A_314 = vector.broadcast %lt3A_313 : i32 to vector<16xi32>
      %lt3A_315 = arith.cmpi slt, %xor3A_312, %lt3A_314 : vector<16xi32>
      %add3A_316 = arith.constant 16 : i32
      %add3A_317 = vector.broadcast %add3A_316 : i32 to vector<16xi32>
      %add3A_318 = arith.addi %xor3A_312, %add3A_317 : vector<16xi32>
      %select_n3A_319 = arith.select %lt3A_315, %add3A_318, %xor3A_312 : vector<16xi1>, vector<16xi32>
      %broadcast_in_dim3A_320 = vector.shape_cast %select_n3A_319 : vector<16xi32> to vector<16x1xi32>
      %gather3A_321 = vector.shape_cast %broadcast_in_dim3A_320 : vector<16x1xi32> to vector<16xi32>
      %gather3A_322 = tpu.dynamic_gather %min3A_309[%gather3A_321] in [0] : vector<16xf32>, vector<16xi32> -> vector<16xf32>
      %min3A_323 = arith.minimumf %min3A_309, %gather3A_322 : vector<16xf32>
      %xor3A_324 = arith.constant 1 : i32
      %xor3A_325 = vector.broadcast %xor3A_324 : i32 to vector<16xi32>
      %xor3A_326 = arith.xori %iota3A, %xor3A_325 : vector<16xi32>
      %lt3A_327 = arith.constant 0 : i32
      %lt3A_328 = vector.broadcast %lt3A_327 : i32 to vector<16xi32>
      %lt3A_329 = arith.cmpi slt, %xor3A_326, %lt3A_328 : vector<16xi32>
      %add3A_330 = arith.constant 16 : i32
      %add3A_331 = vector.broadcast %add3A_330 : i32 to vector<16xi32>
      %add3A_332 = arith.addi %xor3A_326, %add3A_331 : vector<16xi32>
      %select_n3A_333 = arith.select %lt3A_329, %add3A_332, %xor3A_326 : vector<16xi1>, vector<16xi32>
      %broadcast_in_dim3A_334 = vector.shape_cast %select_n3A_333 : vector<16xi32> to vector<16x1xi32>
      %gather3A_335 = vector.shape_cast %broadcast_in_dim3A_334 : vector<16x1xi32> to vector<16xi32>
      %gather3A_336 = tpu.dynamic_gather %min3A_323[%gather3A_335] in [0] : vector<16xf32>, vector<16xi32> -> vector<16xf32>
      %min3A_337 = arith.minimumf %min3A_323, %gather3A_336 : vector<16xf32>
      %select_n3A_338 = arith.select %eq3A_281, %min3A_337, %scan3A_39 : vector<16xi1>, vector<16xf32>
      %add3A_339 = arith.addi %mul3A_0, %mul3A_154 : i32
      %add3A_340 = arith.addi %add3A_339, %squeeze3A_224 : i32
      %lt3A_341 = arith.constant 16 : i32
      %lt3A_342 = arith.cmpi slt, %scan3A_38, %lt3A_341 : i32
      %jit3A_343 = arith.constant -1 : i32
      %select_n3A_344 = arith.select %lt3A_342, %scan3A_38, %jit3A_343 : i32
      %lt3A_345 = arith.constant 16 : i32
      %lt3A_346 = arith.cmpi slt, %scan3A_38, %lt3A_345 : i32
      %sub3A_347 = arith.constant 16 : i32
      %sub3A_348 = arith.subi %scan3A_38, %sub3A_347 : i32
      %jit3A_349 = arith.constant -1 : i32
      %select_n3A_350 = arith.select %lt3A_346, %jit3A_349, %sub3A_348 : i32
      %eq3A_351 = vector.broadcast %select_n3A_344 : i32 to vector<16xi32>
      %eq3A_352 = arith.cmpi eq, %iota3A, %eq3A_351 : vector<16xi32>
      %select_n3A_353 = arith.select %eq3A_352, %min3A_93, %scan3A_40 : vector<16xi1>, vector<16xf32>
      %eq3A_354 = vector.broadcast %select_n3A_350 : i32 to vector<16xi32>
      %eq3A_355 = arith.cmpi eq, %iota3A, %eq3A_354 : vector<16xi32>
      %select_n3A_356 = arith.select %eq3A_355, %min3A_93, %scan3A_41 : vector<16xi1>, vector<16xf32>
      %eq3A_357 = vector.broadcast %select_n3A_344 : i32 to vector<16xi32>
      %eq3A_358 = arith.cmpi eq, %iota3A, %eq3A_357 : vector<16xi32>
      %broadcast_in_dim3A_359 = vector.broadcast %add3A_340 : i32 to vector<16xi32>
      %select_n3A_360 = arith.select %eq3A_358, %broadcast_in_dim3A_359, %scan3A_42 : vector<16xi1>, vector<16xi32>
      %eq3A_361 = vector.broadcast %select_n3A_350 : i32 to vector<16xi32>
      %eq3A_362 = arith.cmpi eq, %iota3A, %eq3A_361 : vector<16xi32>
      %broadcast_in_dim3A_363 = vector.broadcast %add3A_340 : i32 to vector<16xi32>
      %select_n3A_364 = arith.select %eq3A_362, %broadcast_in_dim3A_363, %scan3A_43 : vector<16xi1>, vector<16xi32>
      scf.yield %select_n3A_338, %select_n3A_353, %select_n3A_356, %select_n3A_360, %select_n3A_364 : vector<16xf32>, vector<16xf32>, vector<16xf32>, vector<16xi32>, vector<16xi32>
    }
    %scan3A_14 = arith.constant 32 : i32
    %swap3A = arith.constant 0 : index
    %swap3A_15 = tpu.vector_load %arg6[%swap3A] {strides = array<i32>} : memref<32xf32, #tpu.memory_space<vmem>>, vector<16xf32>,
    %swap3A_16 = vector.shape_cast %swap3A_15 : vector<16xf32> to vector<16xf32>
    %swap3A_17 = vector.shape_cast %scan3A_13#1 : vector<16xf32> to vector<16xf32>
    tpu.vector_store %arg6[%swap3A], %swap3A_17 {strides = array<i32>} : memref<32xf32, #tpu.memory_space<vmem>>, vector<16xf32>,
    %swap3A_18 = arith.constant 16 : index
    %swap3A_19 = tpu.vector_load %arg6[%swap3A_18] {strides = array<i32>} : memref<32xf32, #tpu.memory_space<vmem>>, vector<16xf32>,
    %swap3A_20 = vector.shape_cast %swap3A_19 : vector<16xf32> to vector<16xf32>
    %swap3A_21 = vector.shape_cast %scan3A_13#2 : vector<16xf32> to vector<16xf32>
    tpu.vector_store %arg6[%swap3A_18], %swap3A_21 {strides = array<i32>} : memref<32xf32, #tpu.memory_space<vmem>>, vector<16xf32>,
    %swap3A_22 = arith.constant 0 : index
    %swap3A_23 = tpu.vector_load %arg7[%swap3A_22] {strides = array<i32>} : memref<32xi32, #tpu.memory_space<vmem>>, vector<16xi32>,
    %swap3A_24 = vector.shape_cast %swap3A_23 : vector<16xi32> to vector<16xi32>
    %swap3A_25 = vector.shape_cast %scan3A_13#3 : vector<16xi32> to vector<16xi32>
    tpu.vector_store %arg7[%swap3A_22], %swap3A_25 {strides = array<i32>} : memref<32xi32, #tpu.memory_space<vmem>>, vector<16xi32>,
    %swap3A_26 = arith.constant 16 : index
    %swap3A_27 = tpu.vector_load %arg7[%swap3A_26] {strides = array<i32>} : memref<32xi32, #tpu.memory_space<vmem>>, vector<16xi32>,
    %swap3A_28 = vector.shape_cast %swap3A_27 : vector<16xi32> to vector<16xi32>
    %swap3A_29 = vector.shape_cast %scan3A_13#4 : vector<16xi32> to vector<16xi32>
    tpu.vector_store %arg7[%swap3A_26], %swap3A_29 {strides = array<i32>} : memref<32xi32, #tpu.memory_space<vmem>>, vector<16xi32>,
    %mul3A_30 = arith.constant 32 : i32
    %mul3A_31 = arith.muli %arg1, %mul3A_30 : i32
    "tpu.region"() ({
      %run_scoped3A = tpu.sem_alloc : memref<!tpu.dma_semaphore, #tpu.memory_space<semaphore_mem>>
      %dma_start3A = tpu.memref_slice %arg8[%mul3A_31] : memref<512xf32, #tpu.memory_space<vmem_shared>> -> memref<32xf32, #tpu.memory_space<vmem_shared>>
      %dma_start3A_38 = tpu.memref_slice %arg8[%mul3A_31] : memref<512xf32, #tpu.memory_space<vmem_shared>> -> memref<32xf32, #tpu.memory_space<vmem_shared>>
      tpu.enqueue_dma source(%arg6 : memref<32xf32, #tpu.memory_space<vmem>>) target(%dma_start3A_38 : memref<32xf32, #tpu.memory_space<vmem_shared>>) target_semaphore(%run_scoped3A : memref<!tpu.dma_semaphore, #tpu.memory_space<semaphore_mem>>)
      %dma_wait3A = tpu.memref_slice %arg8[%mul3A_31] : memref<512xf32, #tpu.memory_space<vmem_shared>> -> memref<32xf32, #tpu.memory_space<vmem_shared>>
      %dma_wait3A_39 = tpu.memref_slice %arg8[%mul3A_31] : memref<512xf32, #tpu.memory_space<vmem_shared>> -> memref<32xf32, #tpu.memory_space<vmem_shared>>
      tpu.wait_dma2 semaphore(%run_scoped3A : memref<!tpu.dma_semaphore, #tpu.memory_space<semaphore_mem>>) src(%arg6 : memref<32xf32, #tpu.memory_space<vmem>>) dst(%dma_wait3A_39 : memref<32xf32, #tpu.memory_space<vmem_shared>>)
      tpu.yield
    }) : () -> ()
    %mul3A_32 = arith.constant 32 : i32
    %mul3A_33 = arith.muli %arg1, %mul3A_32 : i32
    "tpu.region"() ({
      %run_scoped3A = tpu.sem_alloc : memref<!tpu.dma_semaphore, #tpu.memory_space<semaphore_mem>>
      %dma_start3A = tpu.memref_slice %arg9[%mul3A_33] : memref<512xi32, #tpu.memory_space<vmem_shared>> -> memref<32xi32, #tpu.memory_space<vmem_shared>>
      %dma_start3A_38 = tpu.memref_slice %arg9[%mul3A_33] : memref<512xi32, #tpu.memory_space<vmem_shared>> -> memref<32xi32, #tpu.memory_space<vmem_shared>>
      tpu.enqueue_dma source(%arg7 : memref<32xi32, #tpu.memory_space<vmem>>) target(%dma_start3A_38 : memref<32xi32, #tpu.memory_space<vmem_shared>>) target_semaphore(%run_scoped3A : memref<!tpu.dma_semaphore, #tpu.memory_space<semaphore_mem>>)
      %dma_wait3A = tpu.memref_slice %arg9[%mul3A_33] : memref<512xi32, #tpu.memory_space<vmem_shared>> -> memref<32xi32, #tpu.memory_space<vmem_shared>>
      %dma_wait3A_39 = tpu.memref_slice %arg9[%mul3A_33] : memref<512xi32, #tpu.memory_space<vmem_shared>> -> memref<32xi32, #tpu.memory_space<vmem_shared>>
      tpu.wait_dma2 semaphore(%run_scoped3A : memref<!tpu.dma_semaphore, #tpu.memory_space<semaphore_mem>>) src(%arg7 : memref<32xi32, #tpu.memory_space<vmem>>) dst(%dma_wait3A_39 : memref<32xi32, #tpu.memory_space<vmem_shared>>)
      tpu.yield
    }) : () -> ()
    %barrier3A = arith.constant 0 : index
    tpu.barrier barrier_id(%barrier3A)
    %eq3A = arith.constant 0 : i32
    %eq3A_34 = arith.cmpi eq, %arg0, %eq3A : i32
    %eq3A_35 = arith.constant 0 : i32
    %eq3A_36 = arith.cmpi eq, %arg1, %eq3A_35 : i32
    %and3A = arith.andi %eq3A_34, %eq3A_36 : i1
    %convert_element_type3A = arith.extui %and3A : i1 to i32
    %cond3A = arith.constant 0 : i32
    %cond3A_37 = arith.cmpi ne, %convert_element_type3A, %cond3A : i32
    scf.if %cond3A_37 {
      "tpu.region"() ({
        %run_scoped3A = tpu.sem_alloc : memref<!tpu.dma_semaphore, #tpu.memory_space<semaphore_mem>>
        %dma_start3A = arith.constant 0 : i32
        %dma_start3A_66 = tpu.memref_slice %arg10[%dma_start3A] : memref<544xf32, #tpu.memory_space<vmem>> -> memref<512xf32, #tpu.memory_space<vmem>>
        %dma_start3A_67 = arith.constant 0 : i32
        %dma_start3A_68 = tpu.memref_slice %arg10[%dma_start3A_67] : memref<544xf32, #tpu.memory_space<vmem>> -> memref<512xf32, #tpu.memory_space<vmem>>
        tpu.enqueue_dma source(%arg8 : memref<512xf32, #tpu.memory_space<vmem_shared>>) target(%dma_start3A_68 : memref<512xf32, #tpu.memory_space<vmem>>) target_semaphore(%run_scoped3A : memref<!tpu.dma_semaphore, #tpu.memory_space<semaphore_mem>>)
        %dma_wait3A = arith.constant 0 : i32
        %dma_wait3A_69 = tpu.memref_slice %arg10[%dma_wait3A] : memref<544xf32, #tpu.memory_space<vmem>> -> memref<512xf32, #tpu.memory_space<vmem>>
        %dma_wait3A_70 = arith.constant 0 : i32
        %dma_wait3A_71 = tpu.memref_slice %arg10[%dma_wait3A_70] : memref<544xf32, #tpu.memory_space<vmem>> -> memref<512xf32, #tpu.memory_space<vmem>>
        tpu.wait_dma2 semaphore(%run_scoped3A : memref<!tpu.dma_semaphore, #tpu.memory_space<semaphore_mem>>) src(%arg8 : memref<512xf32, #tpu.memory_space<vmem_shared>>) dst(%dma_wait3A_71 : memref<512xf32, #tpu.memory_space<vmem>>)
        tpu.yield
      }) : () -> ()
      "tpu.region"() ({
        %run_scoped3A = tpu.sem_alloc : memref<!tpu.dma_semaphore, #tpu.memory_space<semaphore_mem>>
        %dma_start3A = arith.constant 0 : i32
        %dma_start3A_66 = tpu.memref_slice %arg11[%dma_start3A] : memref<544xi32, #tpu.memory_space<vmem>> -> memref<512xi32, #tpu.memory_space<vmem>>
        %dma_start3A_67 = arith.constant 0 : i32
        %dma_start3A_68 = tpu.memref_slice %arg11[%dma_start3A_67] : memref<544xi32, #tpu.memory_space<vmem>> -> memref<512xi32, #tpu.memory_space<vmem>>
        tpu.enqueue_dma source(%arg9 : memref<512xi32, #tpu.memory_space<vmem_shared>>) target(%dma_start3A_68 : memref<512xi32, #tpu.memory_space<vmem>>) target_semaphore(%run_scoped3A : memref<!tpu.dma_semaphore, #tpu.memory_space<semaphore_mem>>)
        %dma_wait3A = arith.constant 0 : i32
        %dma_wait3A_69 = tpu.memref_slice %arg11[%dma_wait3A] : memref<544xi32, #tpu.memory_space<vmem>> -> memref<512xi32, #tpu.memory_space<vmem>>
        %dma_wait3A_70 = arith.constant 0 : i32
        %dma_wait3A_71 = tpu.memref_slice %arg11[%dma_wait3A_70] : memref<544xi32, #tpu.memory_space<vmem>> -> memref<512xi32, #tpu.memory_space<vmem>>
        tpu.wait_dma2 semaphore(%run_scoped3A : memref<!tpu.dma_semaphore, #tpu.memory_space<semaphore_mem>>) src(%arg9 : memref<512xi32, #tpu.memory_space<vmem_shared>>) dst(%dma_wait3A_71 : memref<512xi32, #tpu.memory_space<vmem>>)
        tpu.yield
      }) : () -> ()
      %scan3A_38 = arith.constant 0 : i32
      %scan3A_39 = arith.constant 16 : i32
      %scan3A_40 = arith.addi %scan3A_38, %scan3A_39 : i32
      %scan3A_41 = arith.constant 1 : i32
      %scan3A_42:2 = scf.for %scan3A_66 = %scan3A_38 to %scan3A_40 step %scan3A_41 iter_args(%scan3A_67 = %broadcast_in_dim3A_1, %scan3A_68 = %broadcast_in_dim3A_8) -> (vector<16xf32>, vector<16xi32>)  : i32 {
        %mul3A_69 = arith.constant 32 : i32
        %mul3A_70 = arith.muli %scan3A_66, %mul3A_69 : i32
        %get3A = arith.index_cast %mul3A_70 : i32 to index
        %get3A_71 = tpu.vector_load %arg10[%get3A] {strides = array<i32>} : memref<544xf32, #tpu.memory_space<vmem>>, vector<16xf32>,
        %get3A_72 = vector.shape_cast %get3A_71 : vector<16xf32> to vector<16xf32>
        %mul3A_73 = arith.constant 32 : i32
        %mul3A_74 = arith.muli %scan3A_66, %mul3A_73 : i32
        %get3A_75 = arith.index_cast %mul3A_74 : i32 to index
        %get3A_76 = tpu.vector_load %arg11[%get3A_75] {strides = array<i32>} : memref<544xi32, #tpu.memory_space<vmem>>, vector<16xi32>,
        %get3A_77 = vector.shape_cast %get3A_76 : vector<16xi32> to vector<16xi32>
        %eq3A_78 = vector.broadcast %scan3A_66 : i32 to vector<16xi32>
        %eq3A_79 = arith.cmpi eq, %iota3A, %eq3A_78 : vector<16xi32>
        %slice3A = vector.extract_strided_slice %get3A_72 {offsets = [0], sizes = [1], strides = [1]} : vector<16xf32> to vector<1xf32>
        %squeeze3A = vector.extract %slice3A[0] : f32 from vector<1xf32>
        %broadcast_in_dim3A_80 = vector.broadcast %squeeze3A : f32 to vector<16xf32>
        %select_n3A = arith.select %eq3A_79, %broadcast_in_dim3A_80, %scan3A_67 : vector<16xi1>, vector<16xf32>
        %slice3A_81 = vector.extract_strided_slice %get3A_77 {offsets = [0], sizes = [1], strides = [1]} : vector<16xi32> to vector<1xi32>
        %squeeze3A_82 = vector.extract %slice3A_81[0] : i32 from vector<1xi32>
        %broadcast_in_dim3A_83 = vector.broadcast %squeeze3A_82 : i32 to vector<16xi32>
        %select_n3A_84 = arith.select %eq3A_79, %broadcast_in_dim3A_83, %scan3A_68 : vector<16xi1>, vector<16xi32>
        scf.yield %select_n3A, %select_n3A_84 : vector<16xf32>, vector<16xi32>
      }
      %scan3A_43 = arith.constant 16 : i32
      %scan3A_44 = arith.constant 0 : i32
      %scan3A_45 = arith.constant 32 : i32
      %scan3A_46 = arith.addi %scan3A_44, %scan3A_45 : i32
      %scan3A_47 = arith.constant 1 : i32
      %scan3A_48:7 = scf.for %scan3A_66 = %scan3A_44 to %scan3A_46 step %scan3A_47 iter_args(%scan3A_67 = %scan3A_42#0, %scan3A_68 = %scan3A_42#1, %scan3A_69 = %broadcast_in_dim3A_8, %scan3A_70 = %broadcast_in_dim3A_1, %scan3A_71 = %broadcast_in_dim3A_1, %scan3A_72 = %broadcast_in_dim3A_8, %scan3A_73 = %broadcast_in_dim3A_8) -> (vector<16xf32>, vector<16xi32>, vector<16xi32>, vector<16xf32>, vector<16xf32>, vector<16xi32>, vector<16xi32>)  : i32 {
        %xor3A = arith.constant 8 : i32
        %xor3A_74 = vector.broadcast %xor3A : i32 to vector<16xi32>
        %xor3A_75 = arith.xori %iota3A, %xor3A_74 : vector<16xi32>
        %lt3A = arith.constant 0 : i32
        %lt3A_76 = vector.broadcast %lt3A : i32 to vector<16xi32>
        %lt3A_77 = arith.cmpi slt, %xor3A_75, %lt3A_76 : vector<16xi32>
        %add3A = arith.constant 16 : i32
        %add3A_78 = vector.broadcast %add3A : i32 to vector<16xi32>
        %add3A_79 = arith.addi %xor3A_75, %add3A_78 : vector<16xi32>
        %select_n3A = arith.select %lt3A_77, %add3A_79, %xor3A_75 : vector<16xi1>, vector<16xi32>
        %broadcast_in_dim3A_80 = vector.shape_cast %select_n3A : vector<16xi32> to vector<16x1xi32>
        %gather3A = vector.shape_cast %broadcast_in_dim3A_80 : vector<16x1xi32> to vector<16xi32>
        %gather3A_81 = tpu.dynamic_gather %scan3A_67[%gather3A] in [0] : vector<16xf32>, vector<16xi32> -> vector<16xf32>
        %min3A = arith.minimumf %scan3A_67, %gather3A_81 : vector<16xf32>
        %xor3A_82 = arith.constant 4 : i32
        %xor3A_83 = vector.broadcast %xor3A_82 : i32 to vector<16xi32>
        %xor3A_84 = arith.xori %iota3A, %xor3A_83 : vector<16xi32>
        %lt3A_85 = arith.constant 0 : i32
        %lt3A_86 = vector.broadcast %lt3A_85 : i32 to vector<16xi32>
        %lt3A_87 = arith.cmpi slt, %xor3A_84, %lt3A_86 : vector<16xi32>
        %add3A_88 = arith.constant 16 : i32
        %add3A_89 = vector.broadcast %add3A_88 : i32 to vector<16xi32>
        %add3A_90 = arith.addi %xor3A_84, %add3A_89 : vector<16xi32>
        %select_n3A_91 = arith.select %lt3A_87, %add3A_90, %xor3A_84 : vector<16xi1>, vector<16xi32>
        %broadcast_in_dim3A_92 = vector.shape_cast %select_n3A_91 : vector<16xi32> to vector<16x1xi32>
        %gather3A_93 = vector.shape_cast %broadcast_in_dim3A_92 : vector<16x1xi32> to vector<16xi32>
        %gather3A_94 = tpu.dynamic_gather %min3A[%gather3A_93] in [0] : vector<16xf32>, vector<16xi32> -> vector<16xf32>
        %min3A_95 = arith.minimumf %min3A, %gather3A_94 : vector<16xf32>
        %xor3A_96 = arith.constant 2 : i32
        %xor3A_97 = vector.broadcast %xor3A_96 : i32 to vector<16xi32>
        %xor3A_98 = arith.xori %iota3A, %xor3A_97 : vector<16xi32>
        %lt3A_99 = arith.constant 0 : i32
        %lt3A_100 = vector.broadcast %lt3A_99 : i32 to vector<16xi32>
        %lt3A_101 = arith.cmpi slt, %xor3A_98, %lt3A_100 : vector<16xi32>
        %add3A_102 = arith.constant 16 : i32
        %add3A_103 = vector.broadcast %add3A_102 : i32 to vector<16xi32>
        %add3A_104 = arith.addi %xor3A_98, %add3A_103 : vector<16xi32>
        %select_n3A_105 = arith.select %lt3A_101, %add3A_104, %xor3A_98 : vector<16xi1>, vector<16xi32>
        %broadcast_in_dim3A_106 = vector.shape_cast %select_n3A_105 : vector<16xi32> to vector<16x1xi32>
        %gather3A_107 = vector.shape_cast %broadcast_in_dim3A_106 : vector<16x1xi32> to vector<16xi32>
        %gather3A_108 = tpu.dynamic_gather %min3A_95[%gather3A_107] in [0] : vector<16xf32>, vector<16xi32> -> vector<16xf32>
        %min3A_109 = arith.minimumf %min3A_95, %gather3A_108 : vector<16xf32>
        %xor3A_110 = arith.constant 1 : i32
        %xor3A_111 = vector.broadcast %xor3A_110 : i32 to vector<16xi32>
        %xor3A_112 = arith.xori %iota3A, %xor3A_111 : vector<16xi32>
        %lt3A_113 = arith.constant 0 : i32
        %lt3A_114 = vector.broadcast %lt3A_113 : i32 to vector<16xi32>
        %lt3A_115 = arith.cmpi slt, %xor3A_112, %lt3A_114 : vector<16xi32>
        %add3A_116 = arith.constant 16 : i32
        %add3A_117 = vector.broadcast %add3A_116 : i32 to vector<16xi32>
        %add3A_118 = arith.addi %xor3A_112, %add3A_117 : vector<16xi32>
        %select_n3A_119 = arith.select %lt3A_115, %add3A_118, %xor3A_112 : vector<16xi1>, vector<16xi32>
        %broadcast_in_dim3A_120 = vector.shape_cast %select_n3A_119 : vector<16xi32> to vector<16x1xi32>
        %gather3A_121 = vector.shape_cast %broadcast_in_dim3A_120 : vector<16x1xi32> to vector<16xi32>
        %gather3A_122 = tpu.dynamic_gather %min3A_109[%gather3A_121] in [0] : vector<16xf32>, vector<16xi32> -> vector<16xf32>
        %min3A_123 = arith.minimumf %min3A_109, %gather3A_122 : vector<16xf32>
        %eq3A_124 = arith.cmpf oeq, %scan3A_67, %min3A_123 : vector<16xf32>
        %jit3A = arith.constant 2147483647 : i32
        %broadcast_in_dim3A_125 = vector.broadcast %jit3A : i32 to vector<16xi32>
        %select_n3A_126 = arith.select %eq3A_124, %scan3A_68, %broadcast_in_dim3A_125 : vector<16xi1>, vector<16xi32>
        %xor3A_127 = arith.constant 8 : i32
        %xor3A_128 = vector.broadcast %xor3A_127 : i32 to vector<16xi32>
        %xor3A_129 = arith.xori %iota3A, %xor3A_128 : vector<16xi32>
        %lt3A_130 = arith.constant 0 : i32
        %lt3A_131 = vector.broadcast %lt3A_130 : i32 to vector<16xi32>
        %lt3A_132 = arith.cmpi slt, %xor3A_129, %lt3A_131 : vector<16xi32>
        %add3A_133 = arith.constant 16 : i32
        %add3A_134 = vector.broadcast %add3A_133 : i32 to vector<16xi32>
        %add3A_135 = arith.addi %xor3A_129, %add3A_134 : vector<16xi32>
        %select_n3A_136 = arith.select %lt3A_132, %add3A_135, %xor3A_129 : vector<16xi1>, vector<16xi32>
        %broadcast_in_dim3A_137 = vector.shape_cast %select_n3A_136 : vector<16xi32> to vector<16x1xi32>
        %gather3A_138 = vector.shape_cast %broadcast_in_dim3A_137 : vector<16x1xi32> to vector<16xi32>
        %gather3A_139 = tpu.dynamic_gather %select_n3A_126[%gather3A_138] in [0] : vector<16xi32>, vector<16xi32> -> vector<16xi32>
        %min3A_140 = arith.minsi %select_n3A_126, %gather3A_139 : vector<16xi32>
        %xor3A_141 = arith.constant 4 : i32
        %xor3A_142 = vector.broadcast %xor3A_141 : i32 to vector<16xi32>
        %xor3A_143 = arith.xori %iota3A, %xor3A_142 : vector<16xi32>
        %lt3A_144 = arith.constant 0 : i32
        %lt3A_145 = vector.broadcast %lt3A_144 : i32 to vector<16xi32>
        %lt3A_146 = arith.cmpi slt, %xor3A_143, %lt3A_145 : vector<16xi32>
        %add3A_147 = arith.constant 16 : i32
        %add3A_148 = vector.broadcast %add3A_147 : i32 to vector<16xi32>
        %add3A_149 = arith.addi %xor3A_143, %add3A_148 : vector<16xi32>
        %select_n3A_150 = arith.select %lt3A_146, %add3A_149, %xor3A_143 : vector<16xi1>, vector<16xi32>
        %broadcast_in_dim3A_151 = vector.shape_cast %select_n3A_150 : vector<16xi32> to vector<16x1xi32>
        %gather3A_152 = vector.shape_cast %broadcast_in_dim3A_151 : vector<16x1xi32> to vector<16xi32>
        %gather3A_153 = tpu.dynamic_gather %min3A_140[%gather3A_152] in [0] : vector<16xi32>, vector<16xi32> -> vector<16xi32>
        %min3A_154 = arith.minsi %min3A_140, %gather3A_153 : vector<16xi32>
        %xor3A_155 = arith.constant 2 : i32
        %xor3A_156 = vector.broadcast %xor3A_155 : i32 to vector<16xi32>
        %xor3A_157 = arith.xori %iota3A, %xor3A_156 : vector<16xi32>
        %lt3A_158 = arith.constant 0 : i32
        %lt3A_159 = vector.broadcast %lt3A_158 : i32 to vector<16xi32>
        %lt3A_160 = arith.cmpi slt, %xor3A_157, %lt3A_159 : vector<16xi32>
        %add3A_161 = arith.constant 16 : i32
        %add3A_162 = vector.broadcast %add3A_161 : i32 to vector<16xi32>
        %add3A_163 = arith.addi %xor3A_157, %add3A_162 : vector<16xi32>
        %select_n3A_164 = arith.select %lt3A_160, %add3A_163, %xor3A_157 : vector<16xi1>, vector<16xi32>
        %broadcast_in_dim3A_165 = vector.shape_cast %select_n3A_164 : vector<16xi32> to vector<16x1xi32>
        %gather3A_166 = vector.shape_cast %broadcast_in_dim3A_165 : vector<16x1xi32> to vector<16xi32>
        %gather3A_167 = tpu.dynamic_gather %min3A_154[%gather3A_166] in [0] : vector<16xi32>, vector<16xi32> -> vector<16xi32>
        %min3A_168 = arith.minsi %min3A_154, %gather3A_167 : vector<16xi32>
        %xor3A_169 = arith.constant 1 : i32
        %xor3A_170 = vector.broadcast %xor3A_169 : i32 to vector<16xi32>
        %xor3A_171 = arith.xori %iota3A, %xor3A_170 : vector<16xi32>
        %lt3A_172 = arith.constant 0 : i32
        %lt3A_173 = vector.broadcast %lt3A_172 : i32 to vector<16xi32>
        %lt3A_174 = arith.cmpi slt, %xor3A_171, %lt3A_173 : vector<16xi32>
        %add3A_175 = arith.constant 16 : i32
        %add3A_176 = vector.broadcast %add3A_175 : i32 to vector<16xi32>
        %add3A_177 = arith.addi %xor3A_171, %add3A_176 : vector<16xi32>
        %select_n3A_178 = arith.select %lt3A_174, %add3A_177, %xor3A_171 : vector<16xi1>, vector<16xi32>
        %broadcast_in_dim3A_179 = vector.shape_cast %select_n3A_178 : vector<16xi32> to vector<16x1xi32>
        %gather3A_180 = vector.shape_cast %broadcast_in_dim3A_179 : vector<16x1xi32> to vector<16xi32>
        %gather3A_181 = tpu.dynamic_gather %min3A_168[%gather3A_180] in [0] : vector<16xi32>, vector<16xi32> -> vector<16xi32>
        %min3A_182 = arith.minsi %min3A_168, %gather3A_181 : vector<16xi32>
        %eq3A_183 = arith.cmpf oeq, %scan3A_67, %min3A_123 : vector<16xf32>
        %eq3A_184 = arith.cmpi eq, %scan3A_68, %min3A_182 : vector<16xi32>
        %jit3A_185 = arith.constant 1 : i32
        %jit3A_186 = arith.constant 0 : i32
        %broadcast_in_dim3A_187 = vector.broadcast %jit3A_185 : i32 to vector<16xi32>
        %broadcast_in_dim3A_188 = vector.broadcast %jit3A_186 : i32 to vector<16xi32>
        %select_n3A_189 = arith.select %eq3A_184, %broadcast_in_dim3A_187, %broadcast_in_dim3A_188 : vector<16xi1>, vector<16xi32>
        %jit3A_190 = arith.constant 0 : i32
        %broadcast_in_dim3A_191 = vector.broadcast %jit3A_190 : i32 to vector<16xi32>
        %select_n3A_192 = arith.select %eq3A_183, %select_n3A_189, %broadcast_in_dim3A_191 : vector<16xi1>, vector<16xi32>
        %eq3A_193 = arith.constant 1 : i32
        %eq3A_194 = vector.broadcast %eq3A_193 : i32 to vector<16xi32>
        %eq3A_195 = arith.cmpi eq, %select_n3A_192, %eq3A_194 : vector<16xi32>
        %jit3A_196 = arith.constant 2147483647 : i32
        %broadcast_in_dim3A_197 = vector.broadcast %jit3A_196 : i32 to vector<16xi32>
        %select_n3A_198 = arith.select %eq3A_195, %iota3A, %broadcast_in_dim3A_197 : vector<16xi1>, vector<16xi32>
        %xor3A_199 = arith.constant 8 : i32
        %xor3A_200 = vector.broadcast %xor3A_199 : i32 to vector<16xi32>
        %xor3A_201 = arith.xori %iota3A, %xor3A_200 : vector<16xi32>
        %lt3A_202 = arith.constant 0 : i32
        %lt3A_203 = vector.broadcast %lt3A_202 : i32 to vector<16xi32>
        %lt3A_204 = arith.cmpi slt, %xor3A_201, %lt3A_203 : vector<16xi32>
        %add3A_205 = arith.constant 16 : i32
        %add3A_206 = vector.broadcast %add3A_205 : i32 to vector<16xi32>
        %add3A_207 = arith.addi %xor3A_201, %add3A_206 : vector<16xi32>
        %select_n3A_208 = arith.select %lt3A_204, %add3A_207, %xor3A_201 : vector<16xi1>, vector<16xi32>
        %broadcast_in_dim3A_209 = vector.shape_cast %select_n3A_208 : vector<16xi32> to vector<16x1xi32>
        %gather3A_210 = vector.shape_cast %broadcast_in_dim3A_209 : vector<16x1xi32> to vector<16xi32>
        %gather3A_211 = tpu.dynamic_gather %select_n3A_198[%gather3A_210] in [0] : vector<16xi32>, vector<16xi32> -> vector<16xi32>
        %min3A_212 = arith.minsi %select_n3A_198, %gather3A_211 : vector<16xi32>
        %xor3A_213 = arith.constant 4 : i32
        %xor3A_214 = vector.broadcast %xor3A_213 : i32 to vector<16xi32>
        %xor3A_215 = arith.xori %iota3A, %xor3A_214 : vector<16xi32>
        %lt3A_216 = arith.constant 0 : i32
        %lt3A_217 = vector.broadcast %lt3A_216 : i32 to vector<16xi32>
        %lt3A_218 = arith.cmpi slt, %xor3A_215, %lt3A_217 : vector<16xi32>
        %add3A_219 = arith.constant 16 : i32
        %add3A_220 = vector.broadcast %add3A_219 : i32 to vector<16xi32>
        %add3A_221 = arith.addi %xor3A_215, %add3A_220 : vector<16xi32>
        %select_n3A_222 = arith.select %lt3A_218, %add3A_221, %xor3A_215 : vector<16xi1>, vector<16xi32>
        %broadcast_in_dim3A_223 = vector.shape_cast %select_n3A_222 : vector<16xi32> to vector<16x1xi32>
        %gather3A_224 = vector.shape_cast %broadcast_in_dim3A_223 : vector<16x1xi32> to vector<16xi32>
        %gather3A_225 = tpu.dynamic_gather %min3A_212[%gather3A_224] in [0] : vector<16xi32>, vector<16xi32> -> vector<16xi32>
        %min3A_226 = arith.minsi %min3A_212, %gather3A_225 : vector<16xi32>
        %xor3A_227 = arith.constant 2 : i32
        %xor3A_228 = vector.broadcast %xor3A_227 : i32 to vector<16xi32>
        %xor3A_229 = arith.xori %iota3A, %xor3A_228 : vector<16xi32>
        %lt3A_230 = arith.constant 0 : i32
        %lt3A_231 = vector.broadcast %lt3A_230 : i32 to vector<16xi32>
        %lt3A_232 = arith.cmpi slt, %xor3A_229, %lt3A_231 : vector<16xi32>
        %add3A_233 = arith.constant 16 : i32
        %add3A_234 = vector.broadcast %add3A_233 : i32 to vector<16xi32>
        %add3A_235 = arith.addi %xor3A_229, %add3A_234 : vector<16xi32>
        %select_n3A_236 = arith.select %lt3A_232, %add3A_235, %xor3A_229 : vector<16xi1>, vector<16xi32>
        %broadcast_in_dim3A_237 = vector.shape_cast %select_n3A_236 : vector<16xi32> to vector<16x1xi32>
        %gather3A_238 = vector.shape_cast %broadcast_in_dim3A_237 : vector<16x1xi32> to vector<16xi32>
        %gather3A_239 = tpu.dynamic_gather %min3A_226[%gather3A_238] in [0] : vector<16xi32>, vector<16xi32> -> vector<16xi32>
        %min3A_240 = arith.minsi %min3A_226, %gather3A_239 : vector<16xi32>
        %xor3A_241 = arith.constant 1 : i32
        %xor3A_242 = vector.broadcast %xor3A_241 : i32 to vector<16xi32>
        %xor3A_243 = arith.xori %iota3A, %xor3A_242 : vector<16xi32>
        %lt3A_244 = arith.constant 0 : i32
        %lt3A_245 = vector.broadcast %lt3A_244 : i32 to vector<16xi32>
        %lt3A_246 = arith.cmpi slt, %xor3A_243, %lt3A_245 : vector<16xi32>
        %add3A_247 = arith.constant 16 : i32
        %add3A_248 = vector.broadcast %add3A_247 : i32 to vector<16xi32>
        %add3A_249 = arith.addi %xor3A_243, %add3A_248 : vector<16xi32>
        %select_n3A_250 = arith.select %lt3A_246, %add3A_249, %xor3A_243 : vector<16xi1>, vector<16xi32>
        %broadcast_in_dim3A_251 = vector.shape_cast %select_n3A_250 : vector<16xi32> to vector<16x1xi32>
        %gather3A_252 = vector.shape_cast %broadcast_in_dim3A_251 : vector<16x1xi32> to vector<16xi32>
        %gather3A_253 = tpu.dynamic_gather %min3A_240[%gather3A_252] in [0] : vector<16xi32>, vector<16xi32> -> vector<16xi32>
        %min3A_254 = arith.minsi %min3A_240, %gather3A_253 : vector<16xi32>
        %slice3A = vector.extract_strided_slice %min3A_254 {offsets = [0], sizes = [1], strides = [1]} : vector<16xi32> to vector<1xi32>
        %squeeze3A = vector.extract %slice3A[0] : i32 from vector<1xi32>
        %add3A_255 = arith.addi %scan3A_69, %select_n3A_192 : vector<16xi32>
        %eq3A_256 = arith.constant 1 : i32
        %eq3A_257 = vector.broadcast %eq3A_256 : i32 to vector<16xi32>
        %eq3A_258 = arith.cmpi eq, %select_n3A_192, %eq3A_257 : vector<16xi32>
        %jit3A_259 = arith.constant 2147483647 : i32
        %broadcast_in_dim3A_260 = vector.broadcast %jit3A_259 : i32 to vector<16xi32>
        %select_n3A_261 = arith.select %eq3A_258, %add3A_255, %broadcast_in_dim3A_260 : vector<16xi1>, vector<16xi32>
        %xor3A_262 = arith.constant 8 : i32
        %xor3A_263 = vector.broadcast %xor3A_262 : i32 to vector<16xi32>
        %xor3A_264 = arith.xori %iota3A, %xor3A_263 : vector<16xi32>
        %lt3A_265 = arith.constant 0 : i32
        %lt3A_266 = vector.broadcast %lt3A_265 : i32 to vector<16xi32>
        %lt3A_267 = arith.cmpi slt, %xor3A_264, %lt3A_266 : vector<16xi32>
        %add3A_268 = arith.constant 16 : i32
        %add3A_269 = vector.broadcast %add3A_268 : i32 to vector<16xi32>
        %add3A_270 = arith.addi %xor3A_264, %add3A_269 : vector<16xi32>
        %select_n3A_271 = arith.select %lt3A_267, %add3A_270, %xor3A_264 : vector<16xi1>, vector<16xi32>
        %broadcast_in_dim3A_272 = vector.shape_cast %select_n3A_271 : vector<16xi32> to vector<16x1xi32>
        %gather3A_273 = vector.shape_cast %broadcast_in_dim3A_272 : vector<16x1xi32> to vector<16xi32>
        %gather3A_274 = tpu.dynamic_gather %select_n3A_261[%gather3A_273] in [0] : vector<16xi32>, vector<16xi32> -> vector<16xi32>
        %min3A_275 = arith.minsi %select_n3A_261, %gather3A_274 : vector<16xi32>
        %xor3A_276 = arith.constant 4 : i32
        %xor3A_277 = vector.broadcast %xor3A_276 : i32 to vector<16xi32>
        %xor3A_278 = arith.xori %iota3A, %xor3A_277 : vector<16xi32>
        %lt3A_279 = arith.constant 0 : i32
        %lt3A_280 = vector.broadcast %lt3A_279 : i32 to vector<16xi32>
        %lt3A_281 = arith.cmpi slt, %xor3A_278, %lt3A_280 : vector<16xi32>
        %add3A_282 = arith.constant 16 : i32
        %add3A_283 = vector.broadcast %add3A_282 : i32 to vector<16xi32>
        %add3A_284 = arith.addi %xor3A_278, %add3A_283 : vector<16xi32>
        %select_n3A_285 = arith.select %lt3A_281, %add3A_284, %xor3A_278 : vector<16xi1>, vector<16xi32>
        %broadcast_in_dim3A_286 = vector.shape_cast %select_n3A_285 : vector<16xi32> to vector<16x1xi32>
        %gather3A_287 = vector.shape_cast %broadcast_in_dim3A_286 : vector<16x1xi32> to vector<16xi32>
        %gather3A_288 = tpu.dynamic_gather %min3A_275[%gather3A_287] in [0] : vector<16xi32>, vector<16xi32> -> vector<16xi32>
        %min3A_289 = arith.minsi %min3A_275, %gather3A_288 : vector<16xi32>
        %xor3A_290 = arith.constant 2 : i32
        %xor3A_291 = vector.broadcast %xor3A_290 : i32 to vector<16xi32>
        %xor3A_292 = arith.xori %iota3A, %xor3A_291 : vector<16xi32>
        %lt3A_293 = arith.constant 0 : i32
        %lt3A_294 = vector.broadcast %lt3A_293 : i32 to vector<16xi32>
        %lt3A_295 = arith.cmpi slt, %xor3A_292, %lt3A_294 : vector<16xi32>
        %add3A_296 = arith.constant 16 : i32
        %add3A_297 = vector.broadcast %add3A_296 : i32 to vector<16xi32>
        %add3A_298 = arith.addi %xor3A_292, %add3A_297 : vector<16xi32>
        %select_n3A_299 = arith.select %lt3A_295, %add3A_298, %xor3A_292 : vector<16xi1>, vector<16xi32>
        %broadcast_in_dim3A_300 = vector.shape_cast %select_n3A_299 : vector<16xi32> to vector<16x1xi32>
        %gather3A_301 = vector.shape_cast %broadcast_in_dim3A_300 : vector<16x1xi32> to vector<16xi32>
        %gather3A_302 = tpu.dynamic_gather %min3A_289[%gather3A_301] in [0] : vector<16xi32>, vector<16xi32> -> vector<16xi32>
        %min3A_303 = arith.minsi %min3A_289, %gather3A_302 : vector<16xi32>
        %xor3A_304 = arith.constant 1 : i32
        %xor3A_305 = vector.broadcast %xor3A_304 : i32 to vector<16xi32>
        %xor3A_306 = arith.xori %iota3A, %xor3A_305 : vector<16xi32>
        %lt3A_307 = arith.constant 0 : i32
        %lt3A_308 = vector.broadcast %lt3A_307 : i32 to vector<16xi32>
        %lt3A_309 = arith.cmpi slt, %xor3A_306, %lt3A_308 : vector<16xi32>
        %add3A_310 = arith.constant 16 : i32
        %add3A_311 = vector.broadcast %add3A_310 : i32 to vector<16xi32>
        %add3A_312 = arith.addi %xor3A_306, %add3A_311 : vector<16xi32>
        %select_n3A_313 = arith.select %lt3A_309, %add3A_312, %xor3A_306 : vector<16xi1>, vector<16xi32>
        %broadcast_in_dim3A_314 = vector.shape_cast %select_n3A_313 : vector<16xi32> to vector<16x1xi32>
        %gather3A_315 = vector.shape_cast %broadcast_in_dim3A_314 : vector<16x1xi32> to vector<16xi32>
        %gather3A_316 = tpu.dynamic_gather %min3A_303[%gather3A_315] in [0] : vector<16xi32>, vector<16xi32> -> vector<16xi32>
        %min3A_317 = arith.minsi %min3A_303, %gather3A_316 : vector<16xi32>
        %slice3A_318 = vector.extract_strided_slice %min3A_317 {offsets = [0], sizes = [1], strides = [1]} : vector<16xi32> to vector<1xi32>
        %squeeze3A_319 = vector.extract %slice3A_318[0] : i32 from vector<1xi32>
        %mul3A_320 = arith.constant 32 : i32
        %mul3A_321 = arith.muli %squeeze3A, %mul3A_320 : i32
        %add3A_322 = arith.addi %mul3A_321, %squeeze3A_319 : i32
        %get3A = arith.index_cast %add3A_322 : i32 to index
        %get3A_323 = tpu.vector_load %arg10[%get3A] {strides = array<i32>} : memref<544xf32, #tpu.memory_space<vmem>>, vector<16xf32>,
        %get3A_324 = vector.shape_cast %get3A_323 : vector<16xf32> to vector<16xf32>
        %slice3A_325 = vector.extract_strided_slice %get3A_324 {offsets = [0], sizes = [1], strides = [1]} : vector<16xf32> to vector<1xf32>
        %squeeze3A_326 = vector.extract %slice3A_325[0] : f32 from vector<1xf32>
        %get3A_327 = arith.index_cast %add3A_322 : i32 to index
        %get3A_328 = tpu.vector_load %arg11[%get3A_327] {strides = array<i32>} : memref<544xi32, #tpu.memory_space<vmem>>, vector<16xi32>,
        %get3A_329 = vector.shape_cast %get3A_328 : vector<16xi32> to vector<16xi32>
        %slice3A_330 = vector.extract_strided_slice %get3A_329 {offsets = [0], sizes = [1], strides = [1]} : vector<16xi32> to vector<1xi32>
        %squeeze3A_331 = vector.extract %slice3A_330[0] : i32 from vector<1xi32>
        %ge3A = arith.constant 32 : i32
        %ge3A_332 = arith.cmpi sge, %squeeze3A_319, %ge3A : i32
        %jit3A_333 = arith.constant 0x7F800000 : f32
        %select_n3A_334 = arith.select %ge3A_332, %jit3A_333, %squeeze3A_326 : f32
        %eq3A_335 = vector.broadcast %squeeze3A : i32 to vector<16xi32>
        %eq3A_336 = arith.cmpi eq, %iota3A, %eq3A_335 : vector<16xi32>
        %broadcast_in_dim3A_337 = vector.broadcast %select_n3A_334 : f32 to vector<16xf32>
        %select_n3A_338 = arith.select %eq3A_336, %broadcast_in_dim3A_337, %scan3A_67 : vector<16xi1>, vector<16xf32>
        %eq3A_339 = vector.broadcast %squeeze3A : i32 to vector<16xi32>
        %eq3A_340 = arith.cmpi eq, %iota3A, %eq3A_339 : vector<16xi32>
        %broadcast_in_dim3A_341 = vector.broadcast %squeeze3A_331 : i32 to vector<16xi32>
        %select_n3A_342 = arith.select %eq3A_340, %broadcast_in_dim3A_341, %scan3A_68 : vector<16xi1>, vector<16xi32>
        %lt3A_343 = arith.constant 16 : i32
        %lt3A_344 = arith.cmpi slt, %scan3A_66, %lt3A_343 : i32
        %jit3A_345 = arith.constant -1 : i32
        %select_n3A_346 = arith.select %lt3A_344, %scan3A_66, %jit3A_345 : i32
        %lt3A_347 = arith.constant 16 : i32
        %lt3A_348 = arith.cmpi slt, %scan3A_66, %lt3A_347 : i32
        %sub3A = arith.constant 16 : i32
        %sub3A_349 = arith.subi %scan3A_66, %sub3A : i32
        %jit3A_350 = arith.constant -1 : i32
        %select_n3A_351 = arith.select %lt3A_348, %jit3A_350, %sub3A_349 : i32
        %eq3A_352 = vector.broadcast %select_n3A_346 : i32 to vector<16xi32>
        %eq3A_353 = arith.cmpi eq, %iota3A, %eq3A_352 : vector<16xi32>
        %select_n3A_354 = arith.select %eq3A_353, %min3A_123, %scan3A_70 : vector<16xi1>, vector<16xf32>
        %eq3A_355 = vector.broadcast %select_n3A_351 : i32 to vector<16xi32>
        %eq3A_356 = arith.cmpi eq, %iota3A, %eq3A_355 : vector<16xi32>
        %select_n3A_357 = arith.select %eq3A_356, %min3A_123, %scan3A_71 : vector<16xi1>, vector<16xf32>
        %eq3A_358 = vector.broadcast %select_n3A_346 : i32 to vector<16xi32>
        %eq3A_359 = arith.cmpi eq, %iota3A, %eq3A_358 : vector<16xi32>
        %select_n3A_360 = arith.select %eq3A_359, %min3A_182, %scan3A_72 : vector<16xi1>, vector<16xi32>
        %eq3A_361 = vector.broadcast %select_n3A_351 : i32 to vector<16xi32>
        %eq3A_362 = arith.cmpi eq, %iota3A, %eq3A_361 : vector<16xi32>
        %select_n3A_363 = arith.select %eq3A_362, %min3A_182, %scan3A_73 : vector<16xi1>, vector<16xi32>
        scf.yield %select_n3A_338, %select_n3A_342, %add3A_255, %select_n3A_354, %select_n3A_357, %select_n3A_360, %select_n3A_363 : vector<16xf32>, vector<16xi32>, vector<16xi32>, vector<16xf32>, vector<16xf32>, vector<16xi32>, vector<16xi32>
      }
      %scan3A_49 = arith.constant 32 : i32
      %swap3A_50 = arith.constant 0 : index
      %swap3A_51 = tpu.vector_load %arg12[%swap3A_50] {strides = array<i32>} : memref<32xf32, #tpu.memory_space<vmem>>, vector<16xf32>,
      %swap3A_52 = vector.shape_cast %swap3A_51 : vector<16xf32> to vector<16xf32>
      %swap3A_53 = vector.shape_cast %scan3A_48#3 : vector<16xf32> to vector<16xf32>
      tpu.vector_store %arg12[%swap3A_50], %swap3A_53 {strides = array<i32>} : memref<32xf32, #tpu.memory_space<vmem>>, vector<16xf32>,
      %swap3A_54 = arith.constant 16 : index
      %swap3A_55 = tpu.vector_load %arg12[%swap3A_54] {strides = array<i32>} : memref<32xf32, #tpu.memory_space<vmem>>, vector<16xf32>,
      %swap3A_56 = vector.shape_cast %swap3A_55 : vector<16xf32> to vector<16xf32>
      %swap3A_57 = vector.shape_cast %scan3A_48#4 : vector<16xf32> to vector<16xf32>
      tpu.vector_store %arg12[%swap3A_54], %swap3A_57 {strides = array<i32>} : memref<32xf32, #tpu.memory_space<vmem>>, vector<16xf32>,
      %swap3A_58 = arith.constant 0 : index
      %swap3A_59 = tpu.vector_load %arg13[%swap3A_58] {strides = array<i32>} : memref<32xi32, #tpu.memory_space<vmem>>, vector<16xi32>,
      %swap3A_60 = vector.shape_cast %swap3A_59 : vector<16xi32> to vector<16xi32>
      %swap3A_61 = vector.shape_cast %scan3A_48#5 : vector<16xi32> to vector<16xi32>
      tpu.vector_store %arg13[%swap3A_58], %swap3A_61 {strides = array<i32>} : memref<32xi32, #tpu.memory_space<vmem>>, vector<16xi32>,
      %swap3A_62 = arith.constant 16 : index
      %swap3A_63 = tpu.vector_load %arg13[%swap3A_62] {strides = array<i32>} : memref<32xi32, #tpu.memory_space<vmem>>, vector<16xi32>,
      %swap3A_64 = vector.shape_cast %swap3A_63 : vector<16xi32> to vector<16xi32>
      %swap3A_65 = vector.shape_cast %scan3A_48#6 : vector<16xi32> to vector<16xi32>
      tpu.vector_store %arg13[%swap3A_62], %swap3A_65 {strides = array<i32>} : memref<32xi32, #tpu.memory_space<vmem>>, vector<16xi32>,
      "tpu.region"() ({
        %run_scoped3A = tpu.sem_alloc : memref<!tpu.dma_semaphore, #tpu.memory_space<semaphore_mem>>
        tpu.enqueue_dma source(%arg12 : memref<32xf32, #tpu.memory_space<vmem>>) target(%arg3 : memref<32xf32, #tpu.memory_space<hbm>>) target_semaphore(%run_scoped3A : memref<!tpu.dma_semaphore, #tpu.memory_space<semaphore_mem>>)
        tpu.wait_dma2 semaphore(%run_scoped3A : memref<!tpu.dma_semaphore, #tpu.memory_space<semaphore_mem>>) src(%arg12 : memref<32xf32, #tpu.memory_space<vmem>>) dst(%arg3 : memref<32xf32, #tpu.memory_space<hbm>>)
        tpu.yield
      }) : () -> ()
      "tpu.region"() ({
        %run_scoped3A = tpu.sem_alloc : memref<!tpu.dma_semaphore, #tpu.memory_space<semaphore_mem>>
        tpu.enqueue_dma source(%arg13 : memref<32xi32, #tpu.memory_space<vmem>>) target(%arg4 : memref<32xi32, #tpu.memory_space<hbm>>) target_semaphore(%run_scoped3A : memref<!tpu.dma_semaphore, #tpu.memory_space<semaphore_mem>>)
        tpu.wait_dma2 semaphore(%run_scoped3A : memref<!tpu.dma_semaphore, #tpu.memory_space<semaphore_mem>>) src(%arg13 : memref<32xi32, #tpu.memory_space<vmem>>) dst(%arg4 : memref<32xi32, #tpu.memory_space<hbm>>)
        tpu.yield
      }) : () -> ()
    } else {
    }
    return
  }
}

module attributes {stable_mosaic.version = 14 : i64} {
  func.func @_dist_body(%arg0: i32, %arg1: memref<1x128xf32, #tpu.memory_space<vmem>>, %arg2: memref<4096x128xf32, #tpu.memory_space<vmem>>, %arg3: memref<4096xf32, #tpu.memory_space<vmem>>) attributes {dimension_semantics = [#tpu.dimension_semantics<arbitrary>], iteration_bounds = array<i64: 25>, scalar_prefetch = 0 : i64, scratch_operands = 0 : i64, tpu.core_type = #tpu.core_type<tc>, window_params = [{pipeline_mode = #tpu.pipeline_mode<synchronous>, transform_indices = @transform_0, window_bounds = array<i64: 1, 128>}, {transform_indices = @transform_1, window_bounds = array<i64: 4096, 128>}, {transform_indices = @transform_2, window_bounds = array<i64: 4096>}]} {
    %get3A = arith.constant 0 : index
    %get3A_0 = arith.constant 0 : index
    %get3A_1 = vector.load %arg2[%get3A, %get3A_0] : memref<4096x128xf32, #tpu.memory_space<vmem>>, vector<4096x128xf32>
    %get3A_2 = arith.constant 0 : index
    %get3A_3 = arith.constant 0 : index
    %get3A_4 = vector.load %arg1[%get3A_2, %get3A_3] : memref<1x128xf32, #tpu.memory_space<vmem>>, vector<1x128xf32>
    %mul3A = arith.mulf %get3A_4, %get3A_4 : vector<1x128xf32>
    %reduce_sum3A = vector.shape_cast %mul3A : vector<1x128xf32> to vector<1x1x128xf32>
    %reduce_sum3A_5 = arith.constant dense<0.000000e+00> : vector<1xf32>
    %reduce_sum3A_6 = vector.multi_reduction <add>, %reduce_sum3A, %reduce_sum3A_5 [1, 2] : vector<1x1x128xf32> to vector<1xf32>
    %reduce_sum3A_7 = vector.shape_cast %reduce_sum3A_6 : vector<1xf32> to vector<1x1x1xf32>
    %reduce_sum3A_8 = vector.extract %reduce_sum3A_7[0, 0, 0] : f32 from vector<1x1x1xf32>
    %iota3A = tpu.iota {dimensions = array<i32: 0>} : vector<8x128xi32>
    %eq3A = arith.constant 0 : i32
    %eq3A_9 = vector.broadcast %eq3A : i32 to vector<8x128xi32>
    %eq3A_10 = arith.cmpi eq, %iota3A, %eq3A_9 : vector<8x128xi32>
    %jit3A = arith.constant 1.000000e+00 : f32
    %jit3A_11 = arith.constant 0.000000e+00 : f32
    %broadcast_in_dim3A = vector.broadcast %jit3A : f32 to vector<8x128xf32>
    %broadcast_in_dim3A_12 = vector.broadcast %jit3A_11 : f32 to vector<8x128xf32>
    %select_n3A = arith.select %eq3A_10, %broadcast_in_dim3A, %broadcast_in_dim3A_12 : vector<8x128xi1>, vector<8x128xf32>
    %mul3A_13 = vector.broadcast %get3A_4 : vector<1x128xf32> to vector<8x128xf32>
    %mul3A_14 = arith.mulf %select_n3A, %mul3A_13 : vector<8x128xf32>
    %convert_element_type3A = arith.truncf %select_n3A : vector<8x128xf32> to vector<8x128xbf16>
    %mul3A_15 = arith.mulf %get3A_1, %get3A_1 : vector<4096x128xf32>
    %convert_element_type3A_16 = arith.truncf %mul3A_15 : vector<4096x128xf32> to vector<4096x128xbf16>
    %convert_element_type3A_17 = arith.extf %convert_element_type3A_16 : vector<4096x128xbf16> to vector<4096x128xf32>
    %sub3A = arith.subf %mul3A_15, %convert_element_type3A_17 : vector<4096x128xf32>
    %convert_element_type3A_18 = arith.truncf %sub3A : vector<4096x128xf32> to vector<4096x128xbf16>
    %convert_element_type3A_19 = arith.extf %convert_element_type3A_18 : vector<4096x128xbf16> to vector<4096x128xf32>
    %sub3A_20 = arith.subf %sub3A, %convert_element_type3A_19 : vector<4096x128xf32>
    %convert_element_type3A_21 = arith.truncf %sub3A_20 : vector<4096x128xf32> to vector<4096x128xbf16>
    %dot_general3A = arith.constant dense<0.000000e+00> : vector<8x4096xf32>
    %dot_general3A_22 = tpu.matmul %convert_element_type3A, %convert_element_type3A_16, %dot_general3A {dimension_numbers = #tpu.dot_dimension_numbers<[1], [1], [0], [0], [0, 0, 1, 0], [], []>, transpose_lhs_hint = false} : vector<8x128xbf16>, vector<4096x128xbf16>, vector<8x4096xf32> -> vector<8x4096xf32>
    %slice3A = vector.extract_strided_slice %dot_general3A_22 {offsets = [0, 0], sizes = [1, 4096], strides = [1, 1]} : vector<8x4096xf32> to vector<1x4096xf32>
    %dot_general3A_23 = arith.constant dense<0.000000e+00> : vector<8x4096xf32>
    %dot_general3A_24 = tpu.matmul %convert_element_type3A, %convert_element_type3A_18, %dot_general3A_23 {dimension_numbers = #tpu.dot_dimension_numbers<[1], [1], [0], [0], [0, 0, 1, 0], [], []>, transpose_lhs_hint = false} : vector<8x128xbf16>, vector<4096x128xbf16>, vector<8x4096xf32> -> vector<8x4096xf32>
    %slice3A_25 = vector.extract_strided_slice %dot_general3A_24 {offsets = [0, 0], sizes = [1, 4096], strides = [1, 1]} : vector<8x4096xf32> to vector<1x4096xf32>
    %add3A = arith.addf %slice3A, %slice3A_25 : vector<1x4096xf32>
    %dot_general3A_26 = arith.constant dense<0.000000e+00> : vector<8x4096xf32>
    %dot_general3A_27 = tpu.matmul %convert_element_type3A, %convert_element_type3A_21, %dot_general3A_26 {dimension_numbers = #tpu.dot_dimension_numbers<[1], [1], [0], [0], [0, 0, 1, 0], [], []>, transpose_lhs_hint = false} : vector<8x128xbf16>, vector<4096x128xbf16>, vector<8x4096xf32> -> vector<8x4096xf32>
    %slice3A_28 = vector.extract_strided_slice %dot_general3A_27 {offsets = [0, 0], sizes = [1, 4096], strides = [1, 1]} : vector<8x4096xf32> to vector<1x4096xf32>
    %add3A_29 = arith.addf %add3A, %slice3A_28 : vector<1x4096xf32>
    %dot_general3A_30 = arith.constant dense<0.000000e+00> : vector<8x4096xf32>
    %dot_general3A_31 = tpu.matmul %mul3A_14, %get3A_1, %dot_general3A_30 {dimension_numbers = #tpu.dot_dimension_numbers<[1], [1], [0], [0], [0, 0, 1, 0], [], []>, transpose_lhs_hint = false} : vector<8x128xf32>, vector<4096x128xf32>, vector<8x4096xf32> -> vector<8x4096xf32>
    %slice3A_32 = vector.extract_strided_slice %dot_general3A_31 {offsets = [0, 0], sizes = [1, 4096], strides = [1, 1]} : vector<8x4096xf32> to vector<1x4096xf32>
    %add3A_33 = vector.broadcast %reduce_sum3A_8 : f32 to vector<1x4096xf32>
    %add3A_34 = arith.addf %add3A_33, %add3A_29 : vector<1x4096xf32>
    %mul3A_35 = arith.constant 2.000000e+00 : f32
    %mul3A_36 = vector.broadcast %mul3A_35 : f32 to vector<1x4096xf32>
    %mul3A_37 = arith.mulf %mul3A_36, %slice3A_32 : vector<1x4096xf32>
    %sub3A_38 = arith.subf %add3A_34, %mul3A_37 : vector<1x4096xf32>
    %mul3A_39 = arith.constant 4096 : i32
    %mul3A_40 = arith.muli %arg0, %mul3A_39 : i32
    %iota3A_41 = tpu.iota {dimensions = array<i32: 1>} : vector<1x4096xi32>
    %add3A_42 = vector.broadcast %mul3A_40 : i32 to vector<1x4096xi32>
    %add3A_43 = arith.addi %add3A_42, %iota3A_41 : vector<1x4096xi32>
    %lt3A = arith.constant 100000 : i32
    %lt3A_44 = vector.broadcast %lt3A : i32 to vector<1x4096xi32>
    %lt3A_45 = arith.cmpi slt, %add3A_43, %lt3A_44 : vector<1x4096xi32>
    %jit3A_46 = arith.constant 0x7F800000 : f32
    %broadcast_in_dim3A_47 = vector.broadcast %jit3A_46 : f32 to vector<1x4096xf32>
    %select_n3A_48 = arith.select %lt3A_45, %sub3A_38, %broadcast_in_dim3A_47 : vector<1x4096xi1>, vector<1x4096xf32>
    %reshape3A = vector.shape_cast %select_n3A_48 : vector<1x4096xf32> to vector<4096xf32>
    %swap3A = arith.constant 0 : index
    %swap3A_49 = vector.load %arg3[%swap3A] : memref<4096xf32, #tpu.memory_space<vmem>>, vector<4096xf32>
    tpu.vector_store %arg3[%swap3A], %reshape3A {strides = array<i32>} : memref<4096xf32, #tpu.memory_space<vmem>>, vector<4096xf32>,
    return
  }
  func.func @transform_0(%arg0: i32) -> (i32, i32) {
    %c0_i32 = arith.constant 0 : i32
    %c0_i32_0 = arith.constant 0 : i32
    %c0_i32_1 = arith.constant 0 : i32
    return %c0_i32, %c0_i32_0 : i32, i32
  }
  func.func @transform_1(%arg0: i32) -> (i32, i32) {
    %c0_i32 = arith.constant 0 : i32
    %c0_i32_0 = arith.constant 0 : i32
    return %arg0, %c0_i32 : i32, i32
  }
  func.func @transform_2(%arg0: i32) -> i32 {
    %c0_i32 = arith.constant 0 : i32
    return %arg0 : i32
  }
}

</mosaic_0001>

<sc_bundles>
// kernel: kernel.4.cloned.1.call-start
scs
__scs_entry_jumppad:
0x0: {  	(pc) =	sbr.rel $0x88, $3  }
0x1: {  	(tag) =	ssettag $0x0;
	lr =	simm.s32 $0x1  }
0x2: {  	[smem:$0x3F9E] =	sst lr;
	_ =	strace $0xD0000000  }
0x3: {  	_ = 	snop  }
0x4: {  	_ = 	snop  }
0x5: {  	_ = 	snop  }
0x6: {  	_ = 	snop  }
0x7: {  	_ = 	snop  }
__scs_overlays_trampoline_lowered:
0x8: {  	[smem:$0x3FAD] =	sst s0  }
0x9: {  	[smem:$0x3FAE] =	sst s1  }
0xa: {  	[smem:$0x3FAF] =	sst s2  }
0xb: {  	[smem:$0x3FB0] =	sst s3  }
0xc: {  	[smem:$0x3FB1] =	sst s4  }
0xd: {  	[smem:$0x3FB2] =	sst s5  }
0xe: {  	[smem:$0x3FB3] =	sst s6  }
0xf: {  	[smem:$0x3FB4] =	sst s7  }
0x10: {  	[smem:$0x3FB5] =	sst s8  }
0x11: {  	[smem:$0x3FB6] =	sst s9;
	s0 =	simm.s32 @!p0 $0x0  }
0x12: {  	s1 =	sld [smem:$0x3F9C];
	s0 =	simm.s32 @p0 $0x1  }
0x13: {  	[smem:$0x3FB7] =	sst s0;
	s0 =	simm.s32 @!p1 $0x0  }
0x14: {  	s2 =	sld [smem:$0x3F9B];
	s0 =	simm.s32 @p1 $0x1  }
0x15: {  	[smem:$0x3FB8] =	sst s0;
	s0 =	simm.s32 @!p2 $0x0  }
0x16: {  	s3 =	sld [smem:$0x3FDB];
	s0 =	simm.s32 @p2 $0x1  }
0x17: {  	s4 =	simm.s32 $0x1BF5;
	[smem:$0x3FBA] =	sst s0  }
0x18: {  	s0 =	sld [smem:$0x3F9D];
	_ =	swait.ge [sflag:s4], $0x0  }
0x19: {  	s7 =	sld [smem:$0x3F9E]  }
0x1a: {  	s8 =	sadd.s32 $0xFFFFE003, lr  }
0x1b: {  	s9 =	sadd.s32 $0xFFFFFEF7, lr;
	s5 =	simm.s32 $0xFFFFFFFF;
	p2 =	slt.u32 s8, $0xFFFFF086  }
0x1c: {  	p1 =	slt.u32 s9, $0xF7A;
	s5 =	simm.s32 @!p2 $0x0  }
0x1d: {  	s5 =	simm.s32 @p1 $0x1;
	p0 =	seq.s32 s7, s2  }
0x1e: {  	s7 =	smul.u32 @!p0 $0xF7A, s2;
	p2 =	seq.s32 @!p0 s5, $0x0  }
0x1f: {  	s9 =	smul.u32 $0xF7A, s1;
	s8 =	simm.s32 @!p0 $0x1BF5;
	p2 =	por !p2, p0  }
0x20: {  	[sflag:s8] =	ssyncset.s32 @!p0 $0xFFFFF086;
	s6 =	sadd.s32 @!p0 s3, s7;
	s7 =	simm.s32 @!p0 $0x108  }
0x21: {  	s3 =	sadd.s32 s3, s9;
	s6 =	sadd.s32 @!p0 $0x88, s6;
	s7 =	simm.s32 @p2 $0x1082  }
0x22: {  	[simem:s7], [sflag:s8] =	dma.local @!p0 [hbm:s6], $0xF7A  }
0x23: {  	s9 =	sor.u32 $0xD0000000, s2;
	s6 =	simm.s32 $0x108;
	_ =	swait.ge @!p0 [sflag:s8], $0x0  }
0x24: {  	s3 =	sadd.s32 $0x88, s3;
	s6 =	simm.s32 @!p1 $0x1082;
	[sflag:s4] =	ssyncset.s32 $0xFFFFF086  }
0x25: {  	[simem:s6], [sflag:s4] =	dma.local [hbm:s3], $0xF7A  }
0x26: {  	[smem:$0x3F9E] =	sst s1;
	(tag) =	ssettag s2;
	_ =	strace s9  }
0x27: {  	s1 =	sld [smem:$0x3FAE]  }
0x28: {  	s2 =	sld [smem:$0x3FAF]  }
0x29: {  	s4 =	sld [smem:$0x3FB1]  }
0x2a: {  	p0 =	seq.s32 s5, $0x0;
	s5 =	sld [smem:$0x3FB2]  }
0x2b: {  	s6 =	sld [smem:$0x3FB3]  }
0x2c: {  	s7 =	sld [smem:$0x3FB4]  }
0x2d: {  	s3 =	simm.s32 $0x108;
	s8 =	sld [smem:$0x3FB5]  }
0x2e: {  	s3 =	simm.s32 @!p0 $0x1082;
	s9 =	sld [smem:$0x3FB6]  }
0x2f: {  	lr =	sadd.s32 s0, s3;
	s0 =	sld [smem:$0x3FAD]  }
0x30: {  	s3 =	sld [smem:$0x3FB0]  }
0x31: {  	[smem:$0x3FB9] =	sst s10  }
0x32: {  	s10 =	sld [smem:$0x3FB7];
	_ =	sdelay $0x3  }
0x33: {  	p0 =	seq.s32 s10, $0x1;
	s10 =	sld [smem:$0x3FB9];
	_ =	sdelay $0x3  }
0x34: {  	[smem:$0x3FB9] =	sst s10  }
0x35: {  	s10 =	sld [smem:$0x3FB8];
	_ =	sdelay $0x3  }
0x36: {  	p1 =	seq.s32 s10, $0x1;
	s10 =	sld [smem:$0x3FB9];
	_ =	sdelay $0x3  }
0x37: {  	[smem:$0x3FB9] =	sst s10  }
0x38: {  	s10 =	sld [smem:$0x3FBA]  }
0x39: {  	_ = 	snop;
	(pc) =	sbr.ind lr, $3  }
0x3a: {  	_ = 	snop  }
0x3b: {  	_ = 	snop  }
0x3c: {  	p2 =	seq.s32 s10, $0x1;
	s10 =	sld [smem:$0x3FB9]  }
0x3d: {  	_ =	shalt  }
0x3e: {  	_ =	shalt  }
0x3f: {  	_ =	shalt  }
0x40: {  	_ =	shalt  }
0x41: {  	_ =	shalt  }
0x42: {  	_ =	shalt  }
0x43: {  	_ =	shalt  }
0x44: {  	_ =	shalt  }
0x45: {  	_ =	shalt  }
0x46: {  	_ =	shalt  }
0x47: {  	_ =	shalt  }
0x48: {  	_ =	shalt  }
0x49: {  	_ =	shalt  }
0x4a: {  	_ =	shalt  }
0x4b: {  	_ =	shalt  }
0x4c: {  	_ =	shalt  }
0x4d: {  	_ =	shalt  }
0x4e: {  	_ =	shalt  }
0x4f: {  	_ =	shalt  }
0x50: {  	_ =	shalt  }
0x51: {  	_ =	shalt  }
0x52: {  	_ =	shalt  }
0x53: {  	_ =	shalt  }
0x54: {  	_ =	shalt  }
0x55: {  	_ =	shalt  }
0x56: {  	_ =	shalt  }
0x57: {  	_ =	shalt  }
0x58: {  	_ =	shalt  }
0x59: {  	_ =	shalt  }
0x5a: {  	_ =	shalt  }
0x5b: {  	_ =	shalt  }
0x5c: {  	_ =	shalt  }
0x5d: {  	_ =	shalt  }
0x5e: {  	_ =	shalt  }
0x5f: {  	_ =	shalt  }
0x60: {  	_ =	shalt  }
0x61: {  	_ =	shalt  }
0x62: {  	_ =	shalt  }
0x63: {  	_ =	shalt  }
0x64: {  	_ =	shalt  }
0x65: {  	_ =	shalt  }
0x66: {  	_ =	shalt  }
0x67: {  	_ =	shalt  }
0x68: {  	_ =	shalt  }
0x69: {  	_ =	shalt  }
0x6a: {  	_ =	shalt  }
0x6b: {  	_ =	shalt  }
0x6c: {  	_ =	shalt  }
0x6d: {  	_ =	shalt  }
0x6e: {  	_ =	shalt  }
0x6f: {  	_ =	shalt  }
0x70: {  	_ =	shalt  }
0x71: {  	_ =	shalt  }
0x72: {  	_ =	shalt  }
0x73: {  	_ =	shalt  }
0x74: {  	_ =	shalt  }
0x75: {  	_ =	shalt  }
0x76: {  	_ =	shalt  }
0x77: {  	_ =	shalt  }
0x78: {  	_ =	shalt  }
0x79: {  	_ =	shalt  }
0x7a: {  	_ =	shalt  }
0x7b: {  	_ =	shalt  }
0x7c: {  	_ =	shalt  }
0x7d: {  	_ =	shalt  }
0x7e: {  	_ =	shalt  }
0x7f: {  	_ =	shalt  }
0x80: {  	_ =	shalt  }
0x81: {  	_ =	shalt  }
0x82: {  	_ =	shalt  }
0x83: {  	_ =	shalt  }
0x84: {  	_ =	shalt  }
0x85: {  	_ =	shalt  }
0x86: {  	_ =	shalt  }
0x87: {  	_ =	shalt  }
.Lfunc_end0:
.L_simem_size_0:
called_computation_lowered:
.L_overlay_start_0:
0x88: {  	s0 =	sld [smem:$0x3FD9]  }
0x89: {  	s1 =	sld [smem:$0x3FFE];
	_ =	sdelay $0x3  }
0x8a: {  	s0 =	sadd.s32 s1, s0  }
0x8b: {  	[smem:$0x3FC5] =	sst s0  }
0x8c: {  	_ = 	snop  }
0x8d: {  	s0 =	sld [smem:$0x3FD0];
	_ =	sdelay $0x2  }
0x8e: {  	s13 =	simm.s32 $0xA;
	s2 =	simm.s32 $0x10  }
0x8f: {  	[smem:s2], [sflag:s13] =	dma.local [hbm:s0], $0x1  }
0x90: {  	_ =	swait.eq [sflag:s13], $0x1  }
0x91: {  	[sflag:s13] =	ssyncset.done $0x0  }
0x92: {  	s14 =	sld [smem:$0x10];
	[sflag:s13] =	ssyncadd.s32 $0xFFFFFFFF  }
0x93: {  	s15 =	sld [smem:$0x11];
	(tm) =	ssettm $0x1  }
0x94: {  	s16 =	sld [smem:$0x3FFB];
	_ =	sdelay $0x3  }
0x95: {  	_ =	strace s16  }
0x96: {  	s2 =	sld [smem:$0x3FFC];
	_ =	sdelay $0x3  }
0x97: {  	_ =	strace s2  }
0x98: {  	s2 =	sld [smem:$0x3FFD];
	_ =	sdelay $0x3  }
0x99: {  	_ =	strace s2  }
0x9a: {  	_ =	strace $0x8FFFFFFF  }
0x9b: {  	s17 =	sld [smem:$0x3FDB];
	_ =	sdelay $0x1  }
0x9c: {  	s3 =	simm.s32 $_scs_section_size  }
0x9d: {  	s4 =	simm.s32 $_size__tile_overlayer_lowered;
	s5 =	simm.s32 $_tile_overlayer_lowered  }
0x9e: {  	s20 =	simm.s32 $0x1BFF;
	s19 =	sshll.u32 s5, $0x1;
	s2 =	sadd.s32 s3, s17  }
0x9f: {  	s6 =	simm.s32 $0x0;
	s18 =	sshll.u32 s4, $0x1;
	s4 =	sadd.s32 s19, s2  }
0xa0: {  	[timem:s6], [sflag:s20] =	dma.local [hbm:s4], s18  }
0xa1: {  	_ =	swait.ge [sflag:s20], s18  }
0xa2: {  	s3 =	ssub.s32 $0x0, s18;
	[sflag:s20] =	ssyncset.done $0x0  }
0xa3: {  	[sflag:s20] =	ssyncadd.s32 s3;
	_ =	sdelay $0x1  }
0xa4: {  	s21 =	simm.s32 $0x1B8B  }
0xa5: {  	_ =	swait.ge [sflag:s21], $0x1  }
0xa6: {  	[sflag:s21] =	ssyncset.done $0x0  }
0xa7: {  	s23 =	simm.s32 $0x1B8E;
	s22 =	sld [smem:$0x3FFE];
	[sflag:s21] =	ssyncadd.s32 $0xFFFFFFFF  }
0xa8: {  	s24 =	simm.s32 $execute0_lowered;
	[smem:$0x3FD2] =	sst s23  }
0xa9: {  	s4 =	sshll.u32 s24, $0x1;
	_ =	strace $0x80000046;
	[dreg:$0x1] =	wrdreg $0xFFFFFFFF  }
0xaa: {  	s25 =	simm.s32 $_size_execute0_lowered;
	s2 =	sadd.s32 s2, s4;
	[dreg:$0x0] =	wrdreg $0x0  }
0xab: {  	s4 =	sshll.u32 s25, $0x1;
	[dreg:$0x2] =	wrdreg s2  }
0xac: {  	[dreg:$0x3] =	wrdreg s4  }
0xad: {  	[dreg:$0x4] =	wrdreg $0xC0  }
0xae: {  	_ =	task [dreg:s6], $0x5FFFF  }
0xaf: {  	[dreg:$0x1] =	wrdreg $0xFFFFFFFF  }
0xb0: {  	[dreg:$0x0] =	wrdreg $0x60  }
0xb1: {  	[dreg:$0x2] =	wrdreg s22  }
0xb2: {  	[dreg:$0x3] =	wrdreg s14  }
0xb3: {  	[dreg:$0x4] =	wrdreg s15  }
0xb4: {  	[dreg:$0x5] =	wrdreg $0x1A000  }
0xb5: {  	[dreg:$0x6] =	wrdreg $0x1A200  }
0xb6: {  	[dreg:$0x7] =	wrdreg $0x9  }
0xb7: {  	_ =	task.clear_ibuf [dreg:s6], $0x8FFFF;
	_ =	strace $0x90000046  }
0xb8: {  	s26 =	simm.s32 $0x9;
	_ =	strace $0x80000048  }
0xb9: {  	_ =	swait.ge [sflag:s26], $0x1  }
0xba: {  	[sflag:s26] =	ssyncadd.s32 $0xFFFFFFFF  }
0xbb: {  	_ =	strace $0x90000048  }
0xbc: {  	_ =	sfence  }
0xbd: {  	s28 =	sld [smem:$0x0];
	_ =	sdelay $0x1  }
0xbe: {  	s29 =	srdreg.scid  }
0xbf: {  	s30 =	sshll.u32 s29, $0xD;
	s31 =	sshrl.u32 s29, $0x2  }
0xc0: {  	s1 =	sand.u32 $0x1, s29;
	s2 =	sand.u32 $0x4000, s30;
	s0 =	sadd.s32 s31, s28  }
0xc1: {  	s1 =	sor.u32 s2, s1;
	s0 =	sshll.u32 s0, $0x11  }
0xc2: {  	s0 =	sor.u32 s0, s1  }
0xc3: {  	s0 =	sadd.s32 $0x8F2B, s0  }
0xc4: {  	[sflag:s0] =	ssyncadd.remote.s32 $0x1  }
0xc5: {  	_ =	sfence.sel $0xFFFF  }
0xc6: {  	[dreg:$0x0] =	wrdreg $0xFFFFFFFF;
	(pc) =	sbr.abs _section_cstart, $3  }
0xc7: {  	[dreg:$0x1] =	wrdreg $0xFFFFFFFF  }
0xc8: {  	_ =	task.clear_ibuf [dreg:s6], $0x2FFFF;
	_ =	strace $0x9FFFFFFF  }
0xc9: {  	(tm) =	ssettm $0x7FFFFFFF  }
tec
execute0_lowered:
.L_overlay_start_1:
0x0: {  	(tag) =	ssettag $0x1  }
0x1: {  	s8 =	rddreg [dreg:$0x0]  }
0x2: {  	s2 =	rddreg [dreg:$0x1]  }
0x3: {  	s1 =	rddreg [dreg:$0x2];
	s5 =	stileid.u32  }
0x4: {  	s4 =	rddreg [dreg:$0x3];
	s6 =	smul.u32 $0x1900, s5  }
0x5: {  	s3 =	rddreg [dreg:$0x4]  }
0x6: {  	s0 =	rddreg [dreg:$0x5];
	s7 =	simm.s32 $0x0;
	s9 =	sshrl.u32 s6, $0x3  }
0x7: {  	[smem:$0x7FF] =	sst s7;
	s8 =	sadd.s32 s9, s8  }
0x8: {  	s30 =	simm.s32 $0x1;
	_ =	strace $0x80000047;
	s8 =	sadd.s32 $0xC00, s8  }
0x9: {  	[tilespmem:s7], [sflag:$0x1] =	stream.linear.gather [hbm4b:s8+s7], $0x1900, $0x38;
	[tilespmem:$0x2040] =	vst v63  }
0xa: {  	_ =	swait.ge [sflag:s30], $0x1900  }
0xb: {  	[sflag:s30] =	ssyncset.done $0x0  }
0xc: {  	s31 =	simm.s32 $0xC0;
	[sflag:s30] =	ssyncadd.s32 $0xFFFFE700  }
0xd: {  	v0 =	vld [tilespmem:s31+$0xFFFFFF40]  }
0xe: {  	v1 =	vld [tilespmem:s31+$0xFFFFFF50]  }
0xf: {  	v2 =	vld [tilespmem:s31+$0xFFFFFF60]  }
0x10: {  	v3 =	vld [tilespmem:s31+$0xFFFFFF70]  }
0x11: {  	v4 =	vld [tilespmem:s31+$0xFFFFFF80]  }
0x12: {  	v5 =	vld [tilespmem:s31+$0xFFFFFF90]  }
0x13: {  	v0 =	vmin.f32 v0, v1;
	v1 =	vld [tilespmem:s31+$0xFFFFFFA0]  }
0x14: {  	v0 =	vmin.f32 v0, v2;
	v2 =	vld [tilespmem:s31+$0xFFFFFFB0]  }
0x15: {  	v0 =	vmin.f32 v0, v3;
	v3 =	vld [tilespmem:s31+$0xFFFFFFC0]  }
0x16: {  	v0 =	vmin.f32 v0, v4;
	v4 =	vld [tilespmem:s31+$0xFFFFFFD0]  }
0x17: {  	v0 =	vmin.f32 v0, v5;
	v5 =	vld [tilespmem:s31+$0xFFFFFFE0]  }
0x18: {  	v6 =	vimm.s32 $0x76543210;
	v7 =	vimm.s32 $0xFEDCBA98;
	v0 =	vmin.f32 v0, v1;
	v1 =	vld [tilespmem:s31+$0xFFFFFFF0]  }
0x19: {  	v8 =	vimm.s32 $0xBA98FEDC;
	v9 =	vimm.s32 $0x32107654;
	v0 =	vmin.f32 v0, v2;
	v2 =	vld [tilespmem:s31+$0x0]  }
0x1a: {  	v6 =	vunpack.c.l.s4.s8 v6;
	v7 =	vunpack.c.l.s4.s8 v7;
	v0 =	vmin.f32 v0, v3;
	v3 =	vld [tilespmem:s31+$0x10]  }
0x1b: {  	v8 =	vunpack.c.l.s4.s8 v8;
	v9 =	vunpack.c.l.s4.s8 v9;
	v0 =	vmin.f32 v0, v4;
	v4 =	vld [tilespmem:s31+$0x20]  }
0x1c: {  	v6 =	vunpack.c.0.s8.s32 v6;
	v7 =	vunpack.c.0.s8.s32 v7;
	v0 =	vmin.f32 v0, v5;
	v5 =	vld [tilespmem:s31+$0x30]  }
0x1d: {  	v8 =	vunpack.c.0.s8.s32 v8;
	v9 =	vunpack.c.0.s8.s32 v9;
	v10 =	vld [tilespmem:s31+$0x40];
	v1 =	vmin.f32 v0, v1  }
0x1e: {  	v7 =	vand.u32 $0xF, v7;
	v12 =	vld [tilespmem:s31+$0x50];
	v0 =	vimm.f32 $+Inf;
	v11 =	vmin.f32 v1, v2  }
0x1f: {  	v2 =	vcombine.low v7, v6;
	v1 =	vcombine.low v9, v8;
	v6 =	vld [tilespmem:s31+$0x60];
	v3 =	vmin.f32 v11, v3  }
0x20: {  	v7 =	vimm.s32 $0xDCFE98BA;
	v8 =	vimm.s32 $0x54761032;
	v3 =	vmin.f32 v3, v4;
	v4 =	vld [tilespmem:s31+$0x70]  }
0x21: {  	v9 =	vunpack.c.l.s4.s8 v7;
	v8 =	vunpack.c.l.s4.s8 v8;
	v11 =	vld [tilespmem:s31+$0x80];
	v3 =	vmin.f32 v3, v5  }
0x22: {  	v7 =	vimm.s32 $0x67452301;
	v5 =	vimm.s32 $0xEFCDAB89;
	v3 =	vmin.f32 v3, v10;
	v10 =	vld [tilespmem:s31+$0x90]  }
0x23: {  	v13 =	vunpack.c.l.s4.s8 v7;
	v7 =	vld [tilespmem:s31+$0xA0];
	v5 =	vunpack.c.l.s4.s8 v5;
	v3 =	vmin.f32 v3, v12  }
0x24: {  	v14 =	vunpack.c.0.s8.s32 v8;
	v8 =	vld [tilespmem:s31+$0xB0];
	v12 =	vunpack.c.0.s8.s32 v9;
	v3 =	vmin.f32 v3, v6  }
0x25: {  	s10 =	simm.s32 $0x250;
	v13 =	vunpack.c.0.s8.s32 v13;
	v9 =	vld [tilespmem:s31+$0xC0];
	v6 =	vunpack.c.0.s8.s32 v5;
	v4 =	vmin.f32 v3, v4  }
0x26: {  	v5 =	vcombine.low v14, v12;
	v3 =	vlaneseq.u32;
	v12 =	vld [tilespmem:s10+$0xFFFFFF50];
	v14 =	vmin.f32 v4, v11  }
0x27: {  	s11 =	simm.s32 $0x2;
	s9 =	simm.s32 $0x0;
	s8 =	simm.s32 $0x1;
	v11 =	vld [tilespmem:s10+$0xFFFFFF40];
	v4 =	vcombine.low v13, v6;
	v6 =	vimm.f32 $+Inf;
	v10 =	vmin.f32 v14, v10  }
.LBB2_1:
0x28: {  	p0 =	sne.s32 s11, $0xF;
	v13 =	vld [tilespmem:s10+$0xFFFFFF60];
	v7 =	vmin.f32 v10, v7  }
0x29: {  	v10 =	vld [tilespmem:s10+$0xFFFFFF70];
	v7 =	vmin.f32 v7, v8  }
0x2a: {  	v8 =	vld [tilespmem:s10+$0xFFFFFF80];
	v7 =	vmin.f32 v7, v9  }
0x2b: {  	v9 =	vld [tilespmem:s10+$0xFFFFFF90];
	v14 =	vperm.xlane v7, v2  }
0x2c: {  	v11 =	vmin.f32 v11, v12;
	v12 =	vld [tilespmem:s10+$0xFFFFFFA0]  }
0x2d: {  	v11 =	vmin.f32 v11, v13;
	v13 =	vld [tilespmem:s10+$0xFFFFFFB0];
	v7 =	vmin.f32 v7, v14  }
0x2e: {  	v10 =	vmin.f32 v11, v10;
	v11 =	vld [tilespmem:s10+$0xFFFFFFC0];
	v14 =	vperm.xlane v7, v1  }
0x2f: {  	v8 =	vmin.f32 v10, v8;
	v10 =	vld [tilespmem:s10+$0xFFFFFFD0]  }
0x30: {  	v8 =	vmin.f32 v8, v9;
	v9 =	vld [tilespmem:s10+$0xFFFFFFE0];
	v7 =	vmin.f32 v7, v14  }
0x31: {  	v8 =	vmin.f32 v8, v12;
	v12 =	vld [tilespmem:s10+$0xFFFFFFF0];
	v14 =	vperm.xlane v7, v5  }
0x32: {  	v8 =	vmin.f32 v8, v13;
	v13 =	vld [tilespmem:s10+$0x0]  }
0x33: {  	v8 =	vmin.f32 v8, v11;
	v11 =	vld [tilespmem:s10+$0x10];
	v7 =	vmin.f32 v7, v14  }
0x34: {  	v8 =	vmin.f32 v8, v10;
	v10 =	vld [tilespmem:s10+$0x20];
	v14 =	vperm.xlane v7, v4  }
0x35: {  	v15 =	vmov s9;
	s9 =	smov.u32 s8;
	s8 =	smov.u32 s11;
	v8 =	vmin.f32 v8, v9;
	v9 =	vld [tilespmem:s10+$0x30]  }
0x36: {  	vm0 =	veq.s32 v15, v3;
	v8 =	vmin.f32 v8, v12;
	v12 =	vld [tilespmem:s10+$0x40];
	v7 =	vmin.f32 v7, v14  }
0x37: {  	v8 =	vmin.f32 v8, v13;
	v13 =	vld [tilespmem:s10+$0x50];
	v6 =	vsel vm0, v7, v6  }
0x38: {  	v7 =	vmin.f32 v8, v11;
	v8 =	vld [tilespmem:s10+$0x60]  }
0x39: {  	v7 =	vmin.f32 v7, v10;
	v10 =	vld [tilespmem:s10+$0x70]  }
0x3a: {  	v7 =	vmin.f32 v7, v9;
	v14 =	vld [tilespmem:s10+$0x80]  }
0x3b: {  	v7 =	vmin.f32 v7, v12;
	v15 =	vld [tilespmem:s10+$0x90]  }
.Ltmp0:
0x3c: {  	v9 =	vmin.f32 v7, v13;
	v7 =	vld [tilespmem:s10+$0xA0];
	(pc) =	sbr.rel @p0 .LBB2_1-.Ltmp0, $4  }
0x3d: {  	v9 =	vmin.f32 v9, v8;
	v8 =	vld [tilespmem:s10+$0xB0]  }
0x3e: {  	v10 =	vmin.f32 v9, v10;
	v9 =	vld [tilespmem:s10+$0xC0];
	s10 =	sadd.s32 $0x190, s10  }
0x3f: {  	v11 =	vld [tilespmem:s10+$0xFFFFFF40];
	v10 =	vmin.f32 v10, v14  }
0x40: {  	s11 =	sadd.s32 $0x1, s11;
	v12 =	vld [tilespmem:s10+$0xFFFFFF50];
	v10 =	vmin.f32 v10, v15  }
0x41: {  	v13 =	vld [tilespmem:s10+$0xFFFFFF60]  }
0x42: {  	v14 =	vld [tilespmem:s10+$0xFFFFFF70]  }
0x43: {  	v15 =	vld [tilespmem:s10+$0xFFFFFF80]  }
0x44: {  	v16 =	vld [tilespmem:s10+$0xFFFFFF90]  }
0x45: {  	v47 =	vld [tilespmem:s10+$0xFFFFFFA0];
	v11 =	vmin.f32 v11, v12  }
0x46: {  	v48 =	vld [tilespmem:s10+$0xFFFFFFB0];
	v11 =	vmin.f32 v11, v13  }
0x47: {  	v49 =	vld [tilespmem:s10+$0xFFFFFFC0];
	v11 =	vmin.f32 v11, v14  }
0x48: {  	v50 =	vld [tilespmem:s10+$0xFFFFFFD0];
	v11 =	vmin.f32 v11, v15  }
0x49: {  	v51 =	vld [tilespmem:s10+$0xFFFFFFE0];
	v11 =	vmin.f32 v11, v16  }
0x4a: {  	v52 =	vld [tilespmem:s10+$0xFFFFFFF0];
	v11 =	vmin.f32 v11, v47  }
0x4b: {  	v53 =	vld [tilespmem:s10+$0x0];
	v11 =	vmin.f32 v11, v48  }
0x4c: {  	v54 =	vld [tilespmem:s10+$0x10];
	v11 =	vmin.f32 v11, v49  }
0x4d: {  	v55 =	vld [tilespmem:s10+$0x20];
	v11 =	vmin.f32 v11, v50  }
0x4e: {  	v56 =	vld [tilespmem:s10+$0x30];
	v11 =	vmin.f32 v11, v51  }
0x4f: {  	v57 =	vld [tilespmem:s10+$0x40];
	v11 =	vmin.f32 v11, v52  }
0x50: {  	v58 =	vld [tilespmem:s10+$0x50];
	v11 =	vmin.f32 v11, v53  }
0x51: {  	v59 =	vld [tilespmem:s10+$0x60];
	v11 =	vmin.f32 v11, v54  }
0x52: {  	v60 =	vld [tilespmem:s10+$0x70];
	v11 =	vmin.f32 v11, v55  }
0x53: {  	v61 =	vld [tilespmem:s10+$0x80];
	v7 =	vmin.f32 v10, v7;
	v11 =	vmin.f32 v11, v56  }
0x54: {  	v62 =	vld [tilespmem:s10+$0x90];
	v7 =	vmin.f32 v7, v8;
	v11 =	vmin.f32 v11, v57  }
0x55: {  	v63 =	vld [tilespmem:s10+$0xA0];
	v7 =	vmin.f32 v7, v9;
	v11 =	vmin.f32 v11, v58  }
0x56: {  	v9 =	vperm.xlane v7, v2;
	v10 =	vmin.f32 v11, v59;
	v11 =	vld [tilespmem:s10+$0xB0]  }
0x57: {  	v8 =	vmin.f32 v10, v60;
	v10 =	vld [tilespmem:s10+$0xC0]  }
0x58: {  	v7 =	vmin.f32 v7, v9;
	v8 =	vmin.f32 v8, v61  }
0x59: {  	v9 =	vperm.xlane v7, v1;
	v8 =	vmin.f32 v8, v62  }
0x5a: {  	v8 =	vmin.f32 v8, v63  }
0x5b: {  	v7 =	vmin.f32 v7, v9;
	v8 =	vmin.f32 v8, v11  }
0x5c: {  	v9 =	vperm.xlane v7, v5;
	v8 =	vmin.f32 v8, v10  }
0x5d: {  	v2 =	vperm.xlane v8, v2  }
0x5e: {  	v7 =	vmin.f32 v7, v9;
	v9 =	vimm.s32 $0x54761032  }
0x5f: {  	v9 =	vunpack.c.l.s4.s8 v9;
	v11 =	vimm.s32 $0x67452301;
	v2 =	vmin.f32 v8, v2  }
0x60: {  	v10 =	vimm.s32 $0xEFCDAB89;
	v11 =	vunpack.c.l.s4.s8 v11;
	v1 =	vperm.xlane v2, v1  }
0x61: {  	v9 =	vunpack.c.0.s8.s32 v9;
	v10 =	vunpack.c.l.s4.s8 v10  }
0x62: {  	v11 =	vunpack.c.0.s8.s32 v11;
	v8 =	vperm.xlane v7, v4;
	v1 =	vmin.f32 v2, v1  }
0x63: {  	v10 =	vunpack.c.0.s8.s32 v10;
	v2 =	vmov s9;
	v5 =	vperm.xlane v1, v5  }
0x64: {  	vm0 =	veq.s32 v2, v3;
	v2 =	vmin.f32 v7, v8;
	v7 =	vimm.s32 $0xFEDCBA98  }
0x65: {  	v2 =	vsel vm0, v2, v6;
	v6 =	vmov s8;
	v1 =	vmin.f32 v1, v5  }
0x66: {  	v5 =	vunpack.c.l.s4.s8 v7;
	v7 =	vimm.s32 $0x76543210;
	vm15 =	veq.s32 v6, v3  }
0x67: {  	v6 =	vimm.s32 $0xBA98FEDC;
	v3 =	vunpack.c.l.s4.s8 v7;
	v7 =	vimm.s32 $0x32107654  }
0x68: {  	v8 =	vimm.s32 $0xDCFE98BA;
	v6 =	vunpack.c.l.s4.s8 v6;
	v7 =	vunpack.c.l.s4.s8 v7  }
0x69: {  	v8 =	vunpack.c.l.s4.s8 v8;
	v4 =	vperm.xlane v1, v4;
	v5 =	vunpack.c.0.s8.s32 v5  }
0x6a: {  	v6 =	vunpack.c.0.s8.s32 v6;
	v3 =	vunpack.c.0.s8.s32 v3;
	v7 =	vunpack.c.0.s8.s32 v7  }
0x6b: {  	v8 =	vunpack.c.0.s8.s32 v8;
	v1 =	vmin.f32 v1, v4;
	v5 =	vand.u32 $0xF, v5  }
0x6c: {  	v2 =	vsel vm15, v1, v2;
	v3 =	vcombine.low v5, v3;
	v4 =	vcombine.low v7, v6  }
0x6d: {  	v1 =	vimm.s32 $0x0;
	v6 =	vcombine.low v9, v8;
	v7 =	vcombine.low v11, v10  }
0x6e: {  	v8 =	vlaneseq.u32;
	v9 =	vimm.f32 $+Inf;
	v5 =	vand.u32 $0xF, v4  }
0x6f: {  	v6 =	vand.u32 $0xF, v6;
	v7 =	vand.u32 $0xF, v7;
	v4 =	vimm.s32 $0x0  }
.LBB2_3:
0x70: {  	v10 =	vperm.xlane v2, v3;
	_ =	sdelay $0x1  }
0x71: {  	v10 =	vmin.f32 v2, v10  }
0x72: {  	v11 =	vperm.xlane v10, v5;
	_ =	sdelay $0x1  }
0x73: {  	v10 =	vmin.f32 v10, v11  }
0x74: {  	v11 =	vperm.xlane v10, v6;
	_ =	sdelay $0x1  }
0x75: {  	v10 =	vmin.f32 v10, v11  }
0x76: {  	v11 =	vperm.xlane v10, v7;
	_ =	sdelay $0x1  }
0x77: {  	v10 =	vmin.f32 v10, v11  }
0x78: {  	vm0 =	veq.f32 v2, v10  }
0x79: {  	v11 =	vnsel vm0, $0x7FFFFFFF, v8  }
0x7a: {  	v12 =	vperm.xlane v11, v3;
	_ =	sdelay $0x1  }
0x7b: {  	vm0 =	vlt.s32 v11, v12  }
0x7c: {  	v11 =	vsel vm0, v11, v12  }
0x7d: {  	v12 =	vperm.xlane v11, v5;
	_ =	sdelay $0x1  }
0x7e: {  	vm0 =	vlt.s32 v11, v12  }
0x7f: {  	v11 =	vsel vm0, v11, v12  }
0x80: {  	v12 =	vperm.xlane v11, v6;
	_ =	sdelay $0x1  }
0x81: {  	vm0 =	vlt.s32 v11, v12  }
0x82: {  	v11 =	vsel vm0, v11, v12  }
0x83: {  	v12 =	vperm.xlane v11, v7;
	_ =	sdelay $0x1  }
0x84: {  	vm0 =	vlt.s32 v11, v12  }
0x85: {  	v11 =	vsel vm0, v11, v12  }
0x86: {  	(v2sf) =	vpush v11, $0x0;
	_ =	sdelay $0xe  }
0x87: {  	s8 =	spop (v2sf)  }
0x88: {  	s8 =	smul.u32 $0x190, s8;
	_ =	sdelay $0x1  }
0x89: {  	v13 =	vld [tilespmem:s8+$0x0];
	_ =	sdelay $0x3  }
0x8a: {  	v12 =	vimm.s32 $0x19  }
0x8b: {  	vm1 =	veq.s32 v12, $0x19;
	s10 =	sadd.s32 $0x10, s8;
	vm0 =	veq.f32 v13, v10  }
0x8c: {  	s11 =	simm.s32 $0x0;
	s9 =	simm.s32 $0x1;
	s12 =	simm.s32 $0x2;
	v13 =	vld [tilespmem:s10+$0x0];
	vm0 =	vmand vm0, vm1  }
.LBB2_4:
0x8d: {  	p0 =	sne.s32 s12, $0x18  }
0x8e: {  	v12 =	vsel vm0, s11, v12;
	s11 =	smov.u32 s9;
	s9 =	smov.u32 s12;
	s12 =	sadd.s32 $0x1, s12  }
.Ltmp1:
0x8f: {  	(pc) =	sbr.rel @p0 .LBB2_4-.Ltmp1, $3  }
0x90: {  	_ =	sdelay $0x1  }
0x91: {  	s10 =	sadd.s32 $0x10, s10;
	vm1 =	veq.s32 v12, $0x19;
	vm0 =	veq.f32 v13, v10  }
0x92: {  	v13 =	vld [tilespmem:s10+$0x0];
	vm0 =	vmand vm0, vm1  }
0x93: {  	_ =	sdelay $0x2  }
0x94: {  	v12 =	vsel vm0, s11, v12  }
0x95: {  	vm1 =	veq.s32 v12, $0x19;
	vm10 =	veq.f32 v13, v10  }
0x96: {  	vm0 =	vmand vm10, vm1  }
0x97: {  	v12 =	vsel vm0, s9, v12  }
0x98: {  	v12 =	vshll.u32 v12, $0x4  }
0x99: {  	v12 =	vor.u32 v8, v12  }
0x9a: {  	v40 =	vperm.xlane v12, v3;
	_ =	sdelay $0x1  }
0x9b: {  	vm11 =	vlt.s32 v12, v40  }
0x9c: {  	v12 =	vsel vm11, v12, v40  }
0x9d: {  	v13 =	vperm.xlane v12, v5;
	_ =	sdelay $0x1  }
0x9e: {  	vm0 =	vlt.s32 v12, v13  }
0x9f: {  	v12 =	vsel vm0, v12, v13  }
0xa0: {  	v13 =	vperm.xlane v12, v6;
	_ =	sdelay $0x1  }
0xa1: {  	vm0 =	vlt.s32 v12, v13  }
0xa2: {  	v12 =	vsel vm0, v12, v13  }
0xa3: {  	v13 =	vperm.xlane v12, v7;
	_ =	sdelay $0x1  }
0xa4: {  	vm0 =	vlt.s32 v12, v13  }
0xa5: {  	v12 =	vsel vm0, v12, v13  }
0xa6: {  	(v2sf) =	vpush v12, $0x0;
	_ =	sdelay $0xe  }
0xa7: {  	s25 =	spop (v2sf)  }
0xa8: {  	s10 =	sshra.s32 s25, $0x1F  }
0xa9: {  	s10 =	sshrl.u32 s10, $0x1C  }
0xaa: {  	s10 =	sadd.s32 s10, s25  }
0xab: {  	s26 =	sand.u32 $0xFFFFFFF0, s10  }
0xac: {  	p0 =	slt.s32 s25, $0x1;
	p1 =	sne.s32 s25, s26  }
0xad: {  	p0 =	por !p0, !p1  }
0xae: {  	s11 =	simm.s32 $0x1;
	p0 =	por !p0, !p0  }
0xaf: {  	s10 =	sshrl.u32 s10, $0x4;
	s11 =	simm.s32 @!p0 $0x0  }
0xb0: {  	s10 =	ssub.s32 s10, s11  }
0xb1: {  	s10 =	sshll.u32 s10, $0x6  }
0xb2: {  	s10 =	sshra.s32 s10, $0x2  }
0xb3: {  	s10 =	sadd.s32 s10, s8  }
0xb4: {  	v41 =	vld [tilespmem:s10+$0x0];
	_ =	sdelay $0x1  }
0xb5: {  	s28 =	sand.u32 $0xF, s25  }
0xb6: {  	v42 =	vmov s28  }
0xb7: {  	vm12 =	veq.s32 v42, v8  }
0xb8: {  	v12 =	vsel vm12, $0x7F800000, v41  }
0xb9: {  	[tilespmem:s10+$0x0] =	vst v12  }
0xba: {  	v12 =	vld [tilespmem:s8+$0x0]  }
0xbb: {  	v43 =	vld [tilespmem:s8+$0x10]  }
0xbc: {  	v14 =	vld [tilespmem:s8+$0x20]  }
0xbd: {  	v15 =	vld [tilespmem:s8+$0x30]  }
0xbe: {  	v16 =	vld [tilespmem:s8+$0x40]  }
0xbf: {  	v17 =	vld [tilespmem:s8+$0x50]  }
0xc0: {  	v44 =	vld [tilespmem:s8+$0x60];
	v12 =	vmin.f32 v12, v43  }
0xc1: {  	v45 =	vld [tilespmem:s8+$0x70];
	v12 =	vmin.f32 v12, v14  }
0xc2: {  	v46 =	vld [tilespmem:s8+$0x80];
	v12 =	vmin.f32 v12, v15  }
0xc3: {  	v47 =	vld [tilespmem:s8+$0x90];
	v12 =	vmin.f32 v12, v16  }
0xc4: {  	v48 =	vld [tilespmem:s8+$0xA0];
	v12 =	vmin.f32 v12, v17  }
0xc5: {  	v49 =	vld [tilespmem:s8+$0xB0];
	v12 =	vmin.f32 v12, v44  }
0xc6: {  	v50 =	vld [tilespmem:s8+$0xC0];
	v12 =	vmin.f32 v12, v45  }
0xc7: {  	v51 =	vld [tilespmem:s8+$0xD0];
	v12 =	vmin.f32 v12, v46  }
0xc8: {  	v52 =	vld [tilespmem:s8+$0xE0];
	v12 =	vmin.f32 v12, v47  }
0xc9: {  	v53 =	vld [tilespmem:s8+$0xF0];
	v12 =	vmin.f32 v12, v48  }
0xca: {  	v54 =	vld [tilespmem:s8+$0x100];
	v12 =	vmin.f32 v12, v49  }
0xcb: {  	v55 =	vld [tilespmem:s8+$0x110];
	v12 =	vmin.f32 v12, v50  }
0xcc: {  	v56 =	vld [tilespmem:s8+$0x120];
	v12 =	vmin.f32 v12, v51  }
0xcd: {  	v57 =	vld [tilespmem:s8+$0x130];
	v12 =	vmin.f32 v12, v52  }
0xce: {  	v58 =	vld [tilespmem:s8+$0x140];
	v12 =	vmin.f32 v12, v53  }
0xcf: {  	v59 =	vld [tilespmem:s8+$0x150];
	v12 =	vmin.f32 v12, v54  }
0xd0: {  	v60 =	vld [tilespmem:s8+$0x160];
	v12 =	vmin.f32 v12, v55  }
0xd1: {  	v61 =	vld [tilespmem:s8+$0x170];
	v12 =	vmin.f32 v12, v56  }
0xd2: {  	v62 =	vld [tilespmem:s8+$0x180];
	v12 =	vmin.f32 v12, v57  }
0xd3: {  	v12 =	vmin.f32 v12, v58  }
0xd4: {  	v12 =	vmin.f32 v12, v59  }
0xd5: {  	v12 =	vmin.f32 v12, v60  }
0xd6: {  	v12 =	vmin.f32 v12, v61  }
0xd7: {  	v12 =	vmin.f32 v12, v62  }
0xd8: {  	v63 =	vperm.xlane v12, v3;
	_ =	sdelay $0x1  }
0xd9: {  	v12 =	vmin.f32 v12, v63  }
0xda: {  	v13 =	vperm.xlane v12, v5;
	_ =	sdelay $0x1  }
0xdb: {  	v12 =	vmin.f32 v12, v13  }
0xdc: {  	v11 =	vbroadcast v11, $0x0;
	s29 =	sadd.s32 $0x1, s7;
	p0 =	slt.u32 s7, $0x10;
	s10 =	smov.u32 s7;
	v13 =	vperm.xlane v12, v6  }
0xdd: {  	p1 =	sgt.s32 s7, $0xF;
	s10 =	simm.s32 @!p0 $0xFFFFFFFF;
	p0 =	sne.s32 s29, $0x20  }
.Ltmp2:
0xde: {  	vm13 =	veq.s32 v11, v8;
	s7 =	simm.s32 @!p1 $0xF;
	v11 =	vmov s10;
	v12 =	vmin.f32 v12, v13;
	(pc) =	sbr.rel @p0 .LBB2_3-.Ltmp2, $4  }
0xdf: {  	s30 =	sadd.s32 s6, s8;
	s7 =	sadd.s32 $0xFFFFFFF0, s7;
	vm14 =	veq.s32 v11, v8;
	v13 =	vperm.xlane v12, v7  }
0xe0: {  	s31 =	sadd.s32 s25, s30;
	v11 =	vmov s7;
	v9 =	vsel vm14, v10, v9  }
0xe1: {  	vm15 =	veq.s32 v11, v8;
	v4 =	vsel vm14, s31, v4;
	v12 =	vmin.f32 v12, v13  }
0xe2: {  	s7 =	smov.u32 s29;
	v0 =	vsel vm15, v10, v0;
	v1 =	vsel vm15, s31, v1;
	v2 =	vsel vm13, v12, v2  }
0xe3: {  	[tilespmem:$0x1900] =	vst v9  }
0xe4: {  	[tilespmem:$0x1910] =	vst v0  }
0xe5: {  	s7 =	sshll.u32 s5, $0x5;
	[tilespmem:$0x1980] =	vst v4  }
0xe6: {  	[tilespmem:$0x1990] =	vst v1;
	s8 =	simm.s32 $0x1900;
	s6 =	sadd.s32 s7, s4  }
0xe7: {  	[spmem:s6] =	stream.linear.scatter [tilespmem:s8], [sflag:$0x1], $0x20, $0x38;
	[tilespmem:$0x2040] =	vst v63  }
0xe8: {  	s6 =	simm.s32 $0x1  }
0xe9: {  	_ =	swait.ge [sflag:s6], $0x20  }
0xea: {  	[sflag:s6] =	ssyncset.done $0x0  }
0xeb: {  	s31 =	simm.s32 $0x1980;
	s7 =	sadd.s32 s7, s3;
	[sflag:s6] =	ssyncadd.s32 $0xFFFFFFE0  }
0xec: {  	[spmem:s7] =	stream.linear.scatter [tilespmem:s31], [sflag:$0x1], $0x20, $0x38;
	[tilespmem:$0x2040] =	vst v63  }
0xed: {  	_ =	swait.ge [sflag:s6], $0x20  }
0xee: {  	[sflag:s6] =	ssyncset.done $0x0  }
0xef: {  	[sflag:s6] =	ssyncadd.s32 $0xFFFFFFE0  }
0xf0: {  	p0 =	sne.s32 s5, $0x0;
	[bflag:$0x0] =	sbarrier.arrive $0xFFFF  }
0xf1: {  	_ =	sfence.sel @p0 $0x180000  }
0xf2: {  	[bflag:$0x0] =	sbarrier.arrive @p0 $0xFFFF  }
0xf3: {  	_ =	strace @p0 $0x90000047  }
0xf4: {  	[bflag:$0x2] =	sbarrier.arrive @p0 $0xFFFF  }
0xf5: {  	_ =	shalt @p0  }
.LBB2_7:
0xf6: {  	s5 =	simm.s32 $0x1A40  }
0xf7: {  	[tilespmem:s5], [sflag:$0x1] =	stream.linear.gather [spmem:s4], $0x200, $0x38;
	[tilespmem:$0x2040] =	vst v63  }
0xf8: {  	_ =	swait.ge [sflag:s6], $0x200  }
0xf9: {  	[sflag:s6] =	ssyncset.done $0x0  }
0xfa: {  	s4 =	simm.s32 $0x1CC0;
	[sflag:s6] =	ssyncadd.s32 $0xFFFFFE00  }
0xfb: {  	[tilespmem:s4], [sflag:$0x1] =	stream.linear.gather [spmem:s3], $0x200, $0x38;
	[tilespmem:$0x2040] =	vst v63  }
0xfc: {  	_ =	swait.ge [sflag:s6], $0x200  }
0xfd: {  	[sflag:s6] =	ssyncset.done $0x0  }
0xfe: {  	[sflag:s6] =	ssyncadd.s32 $0xFFFFFE00  }
0xff: {  	v2 =	vld.msk [tilespmem:s5+$0x0 ss:$0x0], $0xffff  }
0x100: {  	v3 =	vld.msk [tilespmem:s4+$0x0 ss:$0x0], $0xffff;
	_ =	sdelay $0x1  }
0x101: {  	v1 =	vimm.f32 $+Inf;
	v0 =	vimm.s32 $0x0;
	v4 =	vlaneseq.u32;
	s3 =	simm.s32 $0x0  }
0x102: {  	v5 =	vimm.f32 $+Inf;
	v6 =	vimm.s32 $0x0;
	v7 =	vmov s3;
	s6 =	simm.s32 $0x1A60;
	s5 =	simm.s32 $0x1  }
.LBB2_8:
0x103: {  	vm0 =	veq.s32 v7, v4;
	s4 =	sadd.s32 $0x20, s4;
	v7 =	vmov v2;
	v2 =	vld.msk [tilespmem:s6+$0x0 ss:$0x0], $0xffff;
	s7 =	smov.u32 s5;
	p0 =	sne.s32 s5, $0xF  }
.Ltmp3:
0x104: {  	s5 =	sadd.s32 $0x1, s5;
	v5 =	vsel vm0, v7, v5;
	v6 =	vsel vm0, v3, v6;
	v3 =	vld.msk [tilespmem:s4+$0x0 ss:$0x0], $0xffff;
	(pc) =	sbr.rel @p0 .LBB2_8-.Ltmp3, $2  }
0x105: {  	_ =	sdelay $0x2  }
0x106: {  	s6 =	sadd.s32 $0x20, s6;
	v7 =	vmov s7  }
0x107: {  	v8 =	vimm.s32 $0xFEDCBA98;
	v9 =	vimm.s32 $0x76543210  }
0x108: {  	v10 =	vimm.s32 $0xBA98FEDC;
	v11 =	vimm.s32 $0x32107654;
	v12 =	vimm.s32 $0xDCFE98BA  }
0x109: {  	v13 =	vimm.s32 $0x54761032;
	v14 =	vimm.s32 $0xEFCDAB89;
	v15 =	vimm.s32 $0x67452301  }
0x10a: {  	vm0 =	veq.s32 v7, v4;
	v8 =	vunpack.c.l.s4.s8 v8;
	v9 =	vunpack.c.l.s4.s8 v9  }
0x10b: {  	v10 =	vunpack.c.l.s4.s8 v10;
	v11 =	vunpack.c.l.s4.s8 v11;
	v12 =	vunpack.c.l.s4.s8 v12  }
0x10c: {  	v13 =	vunpack.c.l.s4.s8 v13;
	v14 =	vunpack.c.l.s4.s8 v14;
	v15 =	vunpack.c.l.s4.s8 v15  }
0x10d: {  	v8 =	vunpack.c.0.s8.s32 v8;
	v10 =	vunpack.c.0.s8.s32 v10;
	v11 =	vunpack.c.0.s8.s32 v11  }
0x10e: {  	v12 =	vunpack.c.0.s8.s32 v12;
	v13 =	vunpack.c.0.s8.s32 v13;
	v14 =	vunpack.c.0.s8.s32 v14  }
0x10f: {  	v15 =	vunpack.c.0.s8.s32 v15;
	v7 =	vunpack.c.0.s8.s32 v9;
	v9 =	vsel vm0, v3, v6  }
0x110: {  	v3 =	vlaneseq.u32;
	v4 =	vcombine.low v11, v10;
	v8 =	vand.u32 $0xF, v8  }
0x111: {  	v10 =	vcombine.low v13, v12;
	v11 =	vcombine.low v15, v14;
	v12 =	vsel vm0, v2, v5  }
0x112: {  	v2 =	vimm.s32 $0x0;
	v8 =	vcombine.low v8, v7;
	v7 =	vand.u32 $0xF, v4  }
0x113: {  	v6 =	vand.u32 $0xF, v10;
	v5 =	vand.u32 $0xF, v11;
	v10 =	vimm.s32 $0x0  }
0x114: {  	s4 =	simm.s32 $0x1;
	v4 =	vimm.f32 $+Inf;
	v11 =	vimm.s32 $0x0;
	v13 =	vperm.xlane v12, v8  }
.LBB2_10:
0x115: {  	p0 =	sne.s32 s4, $0x1F  }
0x116: {  	v13 =	vmin.f32 v12, v13  }
0x117: {  	v14 =	vperm.xlane v13, v7;
	_ =	sdelay $0x1  }
0x118: {  	v13 =	vmin.f32 v13, v14  }
0x119: {  	v14 =	vperm.xlane v13, v6;
	_ =	sdelay $0x1  }
0x11a: {  	p1 =	slt.u32 s3, $0x10;
	s5 =	smax.u32 s3, $0xF;
	s6 =	smov.u32 s3;
	v13 =	vmin.f32 v13, v14  }
0x11b: {  	s3 =	smov.u32 s4;
	s6 =	simm.s32 @!p1 $0xFFFFFFFF;
	s5 =	sadd.s32 $0xFFFFFFF0, s5;
	v14 =	vperm.xlane v13, v5  }
0x11c: {  	v15 =	vmov s6;
	v16 =	vmov s5  }
0x11d: {  	vm1 =	veq.s32 v15, v3;
	vm2 =	veq.s32 v16, v3;
	v13 =	vmin.f32 v13, v14  }
0x11e: {  	vm0 =	veq.f32 v12, v13;
	v1 =	vsel vm1, v13, v1;
	v4 =	vsel vm2, v13, v4  }
0x11f: {  	v13 =	vnsel vm0, $0x7FFFFFFF, v9  }
0x120: {  	v14 =	vperm.xlane v13, v8;
	_ =	sdelay $0x1  }
0x121: {  	vm3 =	vlt.s32 v13, v14  }
0x122: {  	v13 =	vsel vm3, v13, v14  }
0x123: {  	v14 =	vperm.xlane v13, v7;
	_ =	sdelay $0x1  }
0x124: {  	vm3 =	vlt.s32 v13, v14  }
0x125: {  	v13 =	vsel vm3, v13, v14  }
0x126: {  	v14 =	vperm.xlane v13, v6;
	_ =	sdelay $0x1  }
0x127: {  	vm3 =	vlt.s32 v13, v14  }
0x128: {  	v13 =	vsel vm3, v13, v14  }
0x129: {  	v14 =	vperm.xlane v13, v5;
	_ =	sdelay $0x1  }
0x12a: {  	vm3 =	vlt.s32 v13, v14  }
0x12b: {  	v13 =	vsel vm3, v13, v14  }
0x12c: {  	vm3 =	veq.s32 v9, v13;
	v0 =	vsel vm1, v13, v0;
	v2 =	vsel vm2, v13, v2  }
0x12d: {  	vm0 =	vmand vm0, vm3  }
0x12e: {  	v13 =	vsel vm0, $0x1, v10  }
0x12f: {  	v14 =	vnsel vm0, $0x7FFFFFFF, v3;
	v11 =	vadd.s32 v13, v11  }
0x130: {  	v13 =	vperm.xlane v14, v8;
	v15 =	vnsel vm0, $0x7FFFFFFF, v11  }
0x131: {  	v16 =	vperm.xlane v15, v8  }
0x132: {  	vm0 =	vlt.s32 v14, v13  }
0x133: {  	v13 =	vsel vm0, v14, v13;
	vm0 =	vlt.s32 v15, v16  }
0x134: {  	v14 =	vperm.xlane v13, v7;
	v15 =	vsel vm0, v15, v16  }
0x135: {  	v16 =	vperm.xlane v15, v7  }
0x136: {  	vm0 =	vlt.s32 v13, v14  }
0x137: {  	v13 =	vsel vm0, v13, v14;
	vm0 =	vlt.s32 v15, v16  }
0x138: {  	v14 =	vperm.xlane v13, v6;
	v15 =	vsel vm0, v15, v16  }
0x139: {  	v16 =	vperm.xlane v15, v6  }
0x13a: {  	vm0 =	vlt.s32 v13, v14  }
0x13b: {  	v13 =	vsel vm0, v13, v14;
	vm0 =	vlt.s32 v15, v16  }
0x13c: {  	v14 =	vperm.xlane v13, v5;
	v15 =	vsel vm0, v15, v16  }
0x13d: {  	v16 =	vperm.xlane v15, v5  }
0x13e: {  	vm0 =	vlt.s32 v13, v14  }
0x13f: {  	v13 =	vsel vm0, v13, v14;
	vm0 =	vlt.s32 v15, v16  }
0x140: {  	v14 =	vsel vm0, v15, v16;
	(v2sf) =	vpush v13, $0x0  }
0x141: {  	(v2sf) =	vpush v14, $0x0;
	_ =	sdelay $0xd  }
0x142: {  	s5 =	spop (v2sf)  }
0x143: {  	s5 =	sshll.u32 s5, $0x5;
	s6 =	spop (v2sf)  }
0x144: {  	s5 =	sadd.s32 s5, s6  }
0x145: {  	v14 =	vld [tilespmem:s5+$0x1A40]  }
0x146: {  	v15 =	vld.msk [tilespmem:s5+$0x1CC0 ss:$0x0], $0xffff;
	_ =	sdelay $0x3  }
0x147: {  	(v2sf) =	vpush v14, $0x0;
	_ =	sdelay $0xd  }
.Ltmp4:
0x148: {  	v13 =	vbroadcast v13, $0x0;
	(pc) =	sbr.rel @p0 .LBB2_10-.Ltmp4, $4  }
0x149: {  	p1 =	sgt.s32 s6, $0x1F;
	s5 =	spop (v2sf)  }
0x14a: {  	vm0 =	veq.s32 v13, v3;
	s5 =	simm.s32 @p1 $0x7F800000  }
0x14b: {  	v9 =	vsel vm0, v15, v9;
	v12 =	vsel vm0, s5, v12  }
0x14c: {  	s4 =	sadd.s32 $0x1, s4;
	v13 =	vperm.xlane v12, v8  }
0x14d: {  	_ = 	snop  }
0x14e: {  	v13 =	vmin.f32 v12, v13  }
0x14f: {  	v14 =	vperm.xlane v13, v7;
	_ =	sdelay $0x1  }
0x150: {  	v13 =	vmin.f32 v13, v14  }
0x151: {  	v14 =	vperm.xlane v13, v6;
	_ =	sdelay $0x1  }
0x152: {  	v13 =	vmin.f32 v13, v14  }
0x153: {  	v14 =	vperm.xlane v13, v5;
	_ =	sdelay $0x1  }
0x154: {  	v13 =	vmin.f32 v13, v14  }
0x155: {  	vm0 =	veq.f32 v12, v13  }
0x156: {  	v12 =	vnsel vm0, $0x7FFFFFFF, v9  }
0x157: {  	v49 =	vperm.xlane v12, v8;
	_ =	sdelay $0x1  }
0x158: {  	vm1 =	vlt.s32 v12, v49  }
0x159: {  	v12 =	vsel vm1, v12, v49  }
0x15a: {  	v14 =	vperm.xlane v12, v7;
	_ =	sdelay $0x1  }
0x15b: {  	vm1 =	vlt.s32 v12, v14  }
0x15c: {  	v12 =	vsel vm1, v12, v14  }
0x15d: {  	v14 =	vperm.xlane v12, v6;
	_ =	sdelay $0x1  }
0x15e: {  	vm1 =	vlt.s32 v12, v14  }
0x15f: {  	v12 =	vsel vm1, v12, v14  }
0x160: {  	v14 =	vperm.xlane v12, v5;
	_ =	sdelay $0x1  }
0x161: {  	vm1 =	vlt.s32 v12, v14  }
0x162: {  	v12 =	vsel vm1, v12, v14  }
0x163: {  	vm1 =	veq.s32 v9, v12  }
0x164: {  	vm0 =	vmand vm0, vm1  }
0x165: {  	v50 =	vsel vm0, $0x1, v10  }
0x166: {  	v51 =	vnsel vm0, $0x7FFFFFFF, v3;
	v9 =	vadd.s32 v50, v11  }
0x167: {  	v52 =	vperm.xlane v51, v8;
	v9 =	vnsel vm0, $0x7FFFFFFF, v9  }
0x168: {  	v53 =	vperm.xlane v9, v8  }
0x169: {  	vm6 =	vlt.s32 v51, v52  }
0x16a: {  	v10 =	vsel vm6, v51, v52;
	vm7 =	vlt.s32 v9, v53  }
0x16b: {  	v11 =	vperm.xlane v10, v7;
	v8 =	vsel vm7, v9, v53  }
0x16c: {  	v54 =	vperm.xlane v8, v7  }
0x16d: {  	vm8 =	vlt.s32 v10, v11  }
0x16e: {  	v55 =	vsel vm8, v10, v11;
	vm9 =	vlt.s32 v8, v54  }
0x16f: {  	v10 =	vperm.xlane v55, v6;
	v7 =	vsel vm9, v8, v54  }
0x170: {  	v56 =	vperm.xlane v7, v6  }
0x171: {  	vm10 =	vlt.s32 v55, v10  }
0x172: {  	v57 =	vsel vm10, v55, v10;
	vm11 =	vlt.s32 v7, v56  }
0x173: {  	v9 =	vperm.xlane v57, v5;
	v6 =	vsel vm11, v7, v56  }
0x174: {  	v58 =	vperm.xlane v6, v5  }
0x175: {  	vm12 =	vlt.s32 v57, v9  }
0x176: {  	v59 =	vsel vm12, v57, v9;
	vm13 =	vlt.s32 v6, v58  }
0x177: {  	(v2sf) =	vpush v59, $0x0;
	v5 =	vsel vm13, v6, v58  }
0x178: {  	(v2sf) =	vpush v5, $0x0;
	_ =	sdelay $0xd  }
0x179: {  	s4 =	spop (v2sf)  }
0x17a: {  	s4 =	sshll.u32 s4, $0x5;
	s5 =	spop (v2sf)  }
0x17b: {  	s4 =	sadd.s32 s4, s5  }
0x17c: {  	v60 =	vld [tilespmem:s4+$0x1A40];
	_ =	sdelay $0x4  }
0x17d: {  	(v2sf) =	vpush v60, $0x0;
	_ =	sdelay $0x4  }
0x17e: {  	p0 =	slt.u32 s3, $0x10  }
0x17f: {  	s26 =	smax.u32 s3, $0xF;
	s3 =	simm.s32 @!p0 $0xFFFFFFFF  }
0x180: {  	v61 =	vmov s3  }
0x181: {  	vm14 =	veq.s32 v61, v3;
	s4 =	sadd.s32 $0xFFFFFFF0, s26  }
0x182: {  	v1 =	vsel vm14, v13, v1;
	v62 =	vmov s4  }
0x183: {  	v0 =	vsel vm14, v12, v0;
	[tilespmem:$0x1F40] =	vst v1;
	vm15 =	veq.s32 v62, v3  }
0x184: {  	[tilespmem:$0x1FC0] =	vst v0;
	v3 =	vsel vm15, v13, v4  }
0x185: {  	v63 =	vsel vm15, v12, v2;
	[tilespmem:$0x1F50] =	vst v3  }
0x186: {  	s28 =	simm.s32 $0x0;
	s29 =	simm.s32 $0x1F40;
	[tilespmem:$0x1FD0] =	vst v63  }
0x187: {  	[hbm4b:s2+s28] =	stream.linear.scatter [tilespmem:s29], [sflag:$0x1], $0x80, $0x38;
	[tilespmem:$0x2040] =	vst v63  }
0x188: {  	s2 =	simm.s32 $0x1;
	s30 =	spop (v2sf)  }
0x189: {  	_ =	swait.ge [sflag:s2], $0x80  }
0x18a: {  	[sflag:s2] =	ssyncset.done $0x0  }
0x18b: {  	s31 =	simm.s32 $0x1FC0;
	[sflag:s2] =	ssyncadd.s32 $0xFFFFFF80  }
0x18c: {  	[hbm4b:s1+s28] =	stream.linear.scatter [tilespmem:s31], [sflag:$0x1], $0x80, $0x38;
	[tilespmem:$0x2040] =	vst v63  }
0x18d: {  	_ =	swait.ge [sflag:s2], $0x80  }
0x18e: {  	[sflag:s2] =	ssyncset.done $0x0  }
0x18f: {  	[sflag:s2] =	ssyncadd.s32 $0xFFFFFF80  }
0x190: {  	_ =	sfence.sel $0x180000  }
0x191: {  	[bflag:$0x0] =	sbarrier.arrive $0xFFFF  }
0x192: {  	_ =	strace $0x90000047  }
0x193: {  	s0 =	sadd.s32 $0x100000, s0;
	[bflag:$0x2] =	sbarrier.arrive $0xFFFF  }
0x194: {  	[sflag:s0] =	ssyncadd.tile.s32 $0x1;
	_ =	shalt  }
.Lfunc_end2:
_tile_overlayer_lowered:
.L_overlay_start_2:
0x195: {  	(tag) =	ssettag $0x2  }
0x196: {  	s0 =	rddreg [dreg:$0x0];
	s2 =	stileid.u32  }
0x197: {  	s1 =	rddreg [dreg:$0x1];
	p0 =	sne.s32 s2, $0x0  }
0x198: {  	s3 =	rddreg [dreg:$0x2];
	[bflag:$0x3] =	sbarrier.arrive $0xFFFF;
	s2 =	simm.s32 @!p0 $0x1C01  }
0x199: {  	[timem:s3], [sflag:s2] =	dma.local @!p0 [hbm:s0], s1  }
0x19a: {  	s0 =	simm.s32 @!p0 $0x1  }
0x19b: {  	_ =	swait.ge @!p0 [sflag:s0], s1  }
0x19c: {  	s1 =	ssub.s32 @!p0 $0x0, s1;
	[sflag:s0] =	ssyncset.done @!p0 $0x0  }
0x19d: {  	[sflag:s0] =	ssyncadd.s32 @!p0 s1  }
0x19e: {  	[bflag:$0x3] =	sbarrier.arrive $0xFFFF  }
0x19f: {  	_ =	shalt  }

</sc_bundles>
